<compile_context>
chip_gen: v7x
topology: tpu7x:2x2x1
jax: 0.10.2.dev20260603
libtpu: 0.0.44.dev20260713+nightly
codegen_flags: <defaults>
</compile_context>

<pallas_src>
import functools

import jax
import jax.numpy as jnp
from jax import lax
from jax.experimental import pallas as pl
from jax.experimental.pallas import tpu as pltpu
from jax.experimental.pallas import tpu_sc as plsc

N = 10000
E = 320000
D = 128

NC = 2
NS = 16
NW = NC * NS
EW = E // NW
C = 80
NCH = EW // C
RA = 624
TAIL = N - NS * RA

_MESH = plsc.VectorSubcoreMesh(
    core_axis_name="c", subcore_axis_name="s", num_cores=NC, num_subcores=NS)



HR = N // 16


def _sc_hist_body(dst_hbm, zh_hbm, out, idx_d, hist2):
    cid = lax.axis_index("c")
    sid = lax.axis_index("s")
    wid = sid * NC + cid
    pltpu.sync_copy(zh_hbm, hist2)
    pltpu.sync_copy(dst_hbm.at[pl.ds(wid * EW, EW)], idx_d)
    iota = lax.iota(jnp.int32, 16)
    lane_lo = jnp.where(iota < 8, iota, 0)
    lane_hi = jnp.where(iota >= 8, iota - 8, 0)
    mask_lo = iota < 8
    mask_hi = iota >= 8
    ones_v = jnp.ones((16,), jnp.float32)

    def body(i, carry):
        idx = idx_d[pl.ds(i * 16, 16)]
        row = lax.shift_right_logical(idx, 4)
        colbase = lax.shift_left(jnp.bitwise_and(idx, 15), 3)
        plsc.addupdate_scatter(
            hist2, [row, colbase + lane_lo], ones_v, mask=mask_lo)
        plsc.addupdate_scatter(
            hist2, [row, colbase + lane_hi], ones_v, mask=mask_hi)
        return carry

    lax.fori_loop(0, EW // 16, body, 0)
    pltpu.sync_copy(hist2, out.at[wid])


_sc_hist = pl.kernel(
    _sc_hist_body,
    out_type=jax.ShapeDtypeStruct((NW, HR, 128), jnp.float32),
    mesh=_MESH,
    scratch_types=[
        pltpu.VMEM((EW,), jnp.int32),
        pltpu.VMEM((HR, 128), jnp.float32),
    ],
    compiler_params=pltpu.CompilerParams(needs_layout_passes=False),
)


def _sc_agg_body(src_hbm, dst_hbm, g_hbm, z_hbm, out0, out1,
                 idx_s, idx_d, rows0, rows1, sem0, sem1, ssem0, ssem1, acc):
    cid = lax.axis_index("c")
    sid = lax.axis_index("s")
    wid = sid * NC + cid
    rsl = pl.ds(sid * RA, RA)
    tsl = pl.ds(NS * RA, TAIL)
    @pl.when(cid == 0)
    def _():
        pltpu.sync_copy(g_hbm.at[rsl], acc.at[rsl])

        @pl.when(sid == NS - 1)
        def _():
            pltpu.sync_copy(g_hbm.at[tsl], acc.at[tsl])

    @pl.when(cid == 1)
    def _():
        pltpu.sync_copy(z_hbm.at[rsl], acc.at[rsl])

        @pl.when(sid == NS - 1)
        def _():
            pltpu.sync_copy(z_hbm.at[tsl], acc.at[tsl])

    pltpu.sync_copy(src_hbm.at[pl.ds(wid * EW, EW)], idx_s)
    pltpu.sync_copy(dst_hbm.at[wid], idx_d)
    plsc.subcore_barrier()

    def _sidx(j):
        return idx_s.at[pl.ds(j * C, C)]

    pltpu.sync_copy(g_hbm.at[_sidx(0)], rows0)
    pltpu.sync_copy(rows0, acc.at[idx_d.at[0]], add=True)
    pltpu.async_copy(g_hbm.at[_sidx(1)], rows0, sem0)

    def body(t, carry):
        j0 = 2 * t + 1
        j1 = j0 + 1

        @pl.when(t > 0)
        def _():
            pltpu.make_async_copy(
                rows1, acc.at[idx_d.at[j1 - 2]], ssem1).wait()

        pltpu.async_copy(g_hbm.at[_sidx(j1)], rows1, sem1)
        pltpu.make_async_copy(g_hbm.at[_sidx(j0)], rows0, sem0).wait()
        pltpu.async_copy(rows0, acc.at[idx_d.at[j0]], ssem0, add=True)

        @pl.when(j1 + 1 < NCH)
        def _():
            pltpu.make_async_copy(
                rows0, acc.at[idx_d.at[j0]], ssem0).wait()
            pltpu.async_copy(g_hbm.at[_sidx(j1 + 1)], rows0, sem0)

        pltpu.make_async_copy(g_hbm.at[_sidx(j1)], rows1, sem1).wait()
        pltpu.async_copy(rows1, acc.at[idx_d.at[j1]], ssem1, add=True)
        return carry

    lax.fori_loop(0, (NCH - 1) // 2, body, 0)
    pltpu.make_async_copy(rows0, acc.at[idx_d.at[NCH - 2]], ssem0).wait()
    pltpu.make_async_copy(rows1, acc.at[idx_d.at[NCH - 1]], ssem1).wait()
    plsc.subcore_barrier()

    @pl.when(cid == 0)
    def _():
        pltpu.sync_copy(acc.at[rsl], out0.at[rsl])

        @pl.when(sid == NS - 1)
        def _():
            pltpu.sync_copy(acc.at[tsl], out0.at[tsl])

    @pl.when(cid == 1)
    def _():
        pltpu.sync_copy(acc.at[rsl], out1.at[rsl])

        @pl.when(sid == NS - 1)
        def _():
            pltpu.sync_copy(acc.at[tsl], out1.at[tsl])


_sc_agg = pl.kernel(
    _sc_agg_body,
    out_type=[jax.ShapeDtypeStruct((N, D), jnp.float32),
              jax.ShapeDtypeStruct((N, D), jnp.float32)],
    mesh=_MESH,
    scratch_types=[
        pltpu.VMEM((EW,), jnp.int32),
        pltpu.VMEM((NCH, C), jnp.int32),
        pltpu.VMEM((C, D), jnp.float32),
        pltpu.VMEM((C, D), jnp.float32),
        pltpu.SemaphoreType.DMA,
        pltpu.SemaphoreType.DMA,
        pltpu.SemaphoreType.DMA,
        pltpu.SemaphoreType.DMA,
        pltpu.VMEM_SHARED((N, D), jnp.float32),
    ],
)



_R = 1000


def _tc_pre_body(hist_ref, x_ref, w_ref, g_ref, dv_ref):
    hs = jnp.sum(hist_ref[...], axis=0)
    deg = jnp.sum(hs.reshape(HR, 16, 8), axis=2)
    deg = deg.reshape(N, 1) + 1.0
    dinv = lax.rsqrt(jnp.maximum(deg, 1.0))
    h = jnp.dot(x_ref[...], w_ref[...], preferred_element_type=jnp.float32)
    g_ref[...] = h * dinv
    dv_ref[...] = jnp.broadcast_to(dinv, (N, 16))


def _tc_pre(hist, x, W1):
    return pl.pallas_call(
        _tc_pre_body,
        out_shape=[jax.ShapeDtypeStruct((N, D), jnp.float32),
                   jax.ShapeDtypeStruct((N, 16), jnp.float32)],
    )(hist, x, W1)


def _tc_mid_body(p0_ref, p1_ref, dv_ref, b_ref, w_ref, g_ref):
    dinv = dv_ref[:, 0:1]
    z = jnp.maximum((p0_ref[...] + p1_ref[...]) * dinv + b_ref[...], 0.0)
    g_ref[...] = jnp.dot(
        z, w_ref[...], preferred_element_type=jnp.float32) * dinv


def _tc_mid(p0, p1, dv, b1, W2):
    return pl.pallas_call(
        _tc_mid_body,
        grid=(N // _R,),
        in_specs=[
            pl.BlockSpec((_R, D), lambda i: (i, 0)),
            pl.BlockSpec((_R, D), lambda i: (i, 0)),
            pl.BlockSpec((_R, 16), lambda i: (i, 0)),
            pl.BlockSpec((1, D), lambda i: (0, 0)),
            pl.BlockSpec((D, D), lambda i: (0, 0)),
        ],
        out_specs=pl.BlockSpec((_R, D), lambda i: (i, 0)),
        out_shape=jax.ShapeDtypeStruct((N, D), jnp.float32),
    )(p0, p1, dv, b1, W2)


def _tc_post_body(q0_ref, q1_ref, dv_ref, b_ref, o_ref):
    dinv = dv_ref[:, 0:1]
    o_ref[...] = (q0_ref[...] + q1_ref[...]) * dinv + b_ref[...]


def _tc_post(q0, q1, dv, b2):
    return pl.pallas_call(
        _tc_post_body,
        grid=(N // _R,),
        in_specs=[
            pl.BlockSpec((_R, D), lambda i: (i, 0)),
            pl.BlockSpec((_R, D), lambda i: (i, 0)),
            pl.BlockSpec((_R, 16), lambda i: (i, 0)),
            pl.BlockSpec((1, D), lambda i: (0, 0)),
        ],
        out_specs=pl.BlockSpec((_R, D), lambda i: (i, 0)),
        out_shape=jax.ShapeDtypeStruct((N, D), jnp.float32),
    )(q0, q1, dv, b2)



def kernel(x, edge_index, W1, b1, W2, b2):
    src1d = edge_index[0]
    dst1d = edge_index[1]
    dst3d = edge_index[1].reshape(NW, NCH, C)
    zh = jnp.zeros((HR, 128), jnp.float32)
    z128 = jnp.zeros((N, D), jnp.float32)
    b1r = b1.reshape(1, D)
    b2r = b2.reshape(1, D)

    hist = _sc_hist(dst1d, zh)
    g1, dv = _tc_pre(hist, x, W1)
    p0, p1 = _sc_agg(src1d, dst3d, g1, z128)
    g2 = _tc_mid(p0, p1, dv, b1r, W2)
    q0, q1 = _sc_agg(src1d, dst3d, g2, z128)
    out = _tc_post(q0, q1, dv, b2r)
    return out

# --- scband reference (transcript-rebuilt; emitter-appended) ---
"""Pipeline reference for scband-gcn-30562987278370 (READ-ONLY COPY).

The authoritative reference and input builder live on the scoring server;
editing this copy changes nothing except your own understanding.
"""

import jax, jax.numpy as jnp
import numpy as np

N = 10000
E = 320000
D_IN = 128
D_HID = 128
D_OUT = 128


def setup_inputs(seed: int = 0) -> dict:
    key = jax.random.key(seed)
    k1, k2, k3, k4 = jax.random.split(key, 4)
    x = jax.random.normal(k1, (N, D_IN), dtype=jnp.float32)
    edge_index = jax.random.randint(k2, (2, E), 0, N, dtype=jnp.int32)
    W1 = jax.random.normal(k3, (D_IN, D_HID), dtype=jnp.float32) * (1.0 / np.sqrt(D_IN))
    b1 = jnp.zeros((D_HID,), dtype=jnp.float32)
    W2 = jax.random.normal(k4, (D_HID, D_OUT), dtype=jnp.float32) * (1.0 / np.sqrt(D_HID))
    b2 = jnp.zeros((D_OUT,), dtype=jnp.float32)
    return {"x": x, "edge_index": edge_index, "W1": W1, "b1": b1, "W2": W2, "b2": b2}


def gcn_conv(x, edge_index, W, b):
    # GCNConv: out = D^{-1/2} (A + I) D^{-1/2} X W + b
    n = x.shape[0]
    loop = jnp.arange(n, dtype=edge_index.dtype)
    src = jnp.concatenate([edge_index[0], loop])
    dst = jnp.concatenate([edge_index[1], loop])
    deg = jnp.zeros((n,), dtype=x.dtype).at[dst].add(1.0)
    dinv = jax.lax.rsqrt(jnp.maximum(deg, 1.0))
    norm = dinv[src] * dinv[dst]
    h = x @ W
    msg = h[src] * norm[:, None]
    out = jnp.zeros((n, W.shape[1]), dtype=x.dtype).at[dst].add(msg)
    return out + b


def reference(x, edge_index, W1, b1, W2, b2):
    h = gcn_conv(x, edge_index, W1, b1)
    h = jax.nn.relu(h)
    # dropout p=0.0 / eval mode -> identity
    out = gcn_conv(h, edge_index, W2, b2)
    return out

if __name__ == "__main__":
    import jax
    _d = setup_inputs()
    print(jax.jit(kernel)(*tuple(_d.values())))

</pallas_src>

<mosaic_0001>
#map = affine_map<(d0, d1) -> (0)>
#map1 = affine_map<(d0, d1) -> (0, 0)>
#map2 = affine_map<(d0, d1) -> (0, 0, 0)>
module attributes {stable_mosaic.version = 14 : i64} {
  func.func @_sc_hist_body(%arg0: i32, %arg1: i32, %arg2: memref<320000xi32, #tpu.memory_space<hbm>>, %arg3: memref<625x128xf32, #tpu.memory_space<hbm>>, %arg4: memref<32x625x128xf32, #tpu.memory_space<hbm>>, %arg5: memref<10000xi32, #tpu.memory_space<vmem>>, %arg6: memref<625x128xf32, #tpu.memory_space<vmem>>) attributes {dimension_semantics = [#tpu.dimension_semantics<core_parallel>, #tpu.dimension_semantics<subcore_parallel>], iteration_bounds = array<i64: 2, 16>, scalar_prefetch = 0 : i64, scratch_operands = 2 : i64, tpu.core_type = #tpu.core_type<sc_vector_subcore>, window_params = [{transform_indices = #map}, {transform_indices = #map1}, {transform_indices = #map2}]} {
    %mul3A = arith.constant 2 : i32
    %mul3A_0 = arith.muli %arg1, %mul3A : i32
    %add3A = arith.addi %mul3A_0, %arg0 : i32
    "tpu.region"() ({
      %run_scoped3A = tpu.sem_alloc : memref<!tpu.dma_semaphore, #tpu.memory_space<semaphore_mem>>
      tpu.enqueue_dma source(%arg3 : memref<625x128xf32, #tpu.memory_space<hbm>>) target(%arg6 : memref<625x128xf32, #tpu.memory_space<vmem>>) target_semaphore(%run_scoped3A : memref<!tpu.dma_semaphore, #tpu.memory_space<semaphore_mem>>)
      tpu.wait_dma2 semaphore(%run_scoped3A : memref<!tpu.dma_semaphore, #tpu.memory_space<semaphore_mem>>) src(%arg3 : memref<625x128xf32, #tpu.memory_space<hbm>>) dst(%arg6 : memref<625x128xf32, #tpu.memory_space<vmem>>)
      tpu.yield
    }) : () -> ()
    %mul3A_1 = arith.constant 10000 : i32
    %mul3A_2 = arith.muli %add3A, %mul3A_1 : i32
    "tpu.region"() ({
      %run_scoped3A = tpu.sem_alloc : memref<!tpu.dma_semaphore, #tpu.memory_space<semaphore_mem>>
      %dma_start3A = tpu.memref_slice %arg2[%mul3A_2] : memref<320000xi32, #tpu.memory_space<hbm>> -> memref<10000xi32, #tpu.memory_space<hbm>>
      %dma_start3A_25 = tpu.memref_slice %arg2[%mul3A_2] : memref<320000xi32, #tpu.memory_space<hbm>> -> memref<10000xi32, #tpu.memory_space<hbm>>
      tpu.enqueue_dma source(%dma_start3A_25 : memref<10000xi32, #tpu.memory_space<hbm>>) target(%arg5 : memref<10000xi32, #tpu.memory_space<vmem>>) target_semaphore(%run_scoped3A : memref<!tpu.dma_semaphore, #tpu.memory_space<semaphore_mem>>)
      %dma_wait3A = tpu.memref_slice %arg2[%mul3A_2] : memref<320000xi32, #tpu.memory_space<hbm>> -> memref<10000xi32, #tpu.memory_space<hbm>>
      %dma_wait3A_26 = tpu.memref_slice %arg2[%mul3A_2] : memref<320000xi32, #tpu.memory_space<hbm>> -> memref<10000xi32, #tpu.memory_space<hbm>>
      tpu.wait_dma2 semaphore(%run_scoped3A : memref<!tpu.dma_semaphore, #tpu.memory_space<semaphore_mem>>) src(%dma_wait3A_26 : memref<10000xi32, #tpu.memory_space<hbm>>) dst(%arg5 : memref<10000xi32, #tpu.memory_space<vmem>>)
      tpu.yield
    }) : () -> ()
    %iota3A = tpu.iota {dimensions = array<i32: 0>} : vector<16xi32>
    %lt3A = arith.constant 8 : i32
    %lt3A_3 = vector.broadcast %lt3A : i32 to vector<16xi32>
    %lt3A_4 = arith.cmpi slt, %iota3A, %lt3A_3 : vector<16xi32>
    %jit3A = arith.constant 0 : i32
    %broadcast_in_dim3A = vector.broadcast %jit3A : i32 to vector<16xi32>
    %select_n3A = arith.select %lt3A_4, %iota3A, %broadcast_in_dim3A : vector<16xi1>, vector<16xi32>
    %ge3A = arith.constant 8 : i32
    %ge3A_5 = vector.broadcast %ge3A : i32 to vector<16xi32>
    %ge3A_6 = arith.cmpi sge, %iota3A, %ge3A_5 : vector<16xi32>
    %sub3A = arith.constant 8 : i32
    %sub3A_7 = vector.broadcast %sub3A : i32 to vector<16xi32>
    %sub3A_8 = arith.subi %iota3A, %sub3A_7 : vector<16xi32>
    %jit3A_9 = arith.constant 0 : i32
    %broadcast_in_dim3A_10 = vector.broadcast %jit3A_9 : i32 to vector<16xi32>
    %select_n3A_11 = arith.select %ge3A_6, %sub3A_8, %broadcast_in_dim3A_10 : vector<16xi1>, vector<16xi32>
    %lt3A_12 = arith.constant 8 : i32
    %lt3A_13 = vector.broadcast %lt3A_12 : i32 to vector<16xi32>
    %lt3A_14 = arith.cmpi slt, %iota3A, %lt3A_13 : vector<16xi32>
    %ge3A_15 = arith.constant 8 : i32
    %ge3A_16 = vector.broadcast %ge3A_15 : i32 to vector<16xi32>
    %ge3A_17 = arith.cmpi sge, %iota3A, %ge3A_16 : vector<16xi32>
    %broadcast_in_dim3A_18 = arith.constant 1.000000e+00 : f32
    %broadcast_in_dim3A_19 = vector.broadcast %broadcast_in_dim3A_18 : f32 to vector<16xf32>
    %scan3A = arith.constant 0 : i32
    %scan3A_20 = arith.constant 0 : i32
    %scan3A_21 = arith.constant 625 : i32
    %scan3A_22 = arith.addi %scan3A_20, %scan3A_21 : i32
    %scan3A_23 = arith.constant 1 : i32
    scf.for %scan3A_25 = %scan3A_20 to %scan3A_22 step %scan3A_23  : i32 {
      %mul3A_26 = arith.constant 16 : i32
      %mul3A_27 = arith.muli %scan3A_25, %mul3A_26 : i32
      %get3A = arith.index_cast %mul3A_27 : i32 to index
      %get3A_28 = tpu.vector_load %arg5[%get3A] {strides = array<i32>} : memref<10000xi32, #tpu.memory_space<vmem>>, vector<16xi32>,
      %shift_right_logical3A = arith.constant 4 : i32
      %shift_right_logical3A_29 = vector.broadcast %shift_right_logical3A : i32 to vector<16xi32>
      %shift_right_logical3A_30 = arith.shrui %get3A_28, %shift_right_logical3A_29 : vector<16xi32>
      %and3A = arith.constant 15 : i32
      %and3A_31 = vector.broadcast %and3A : i32 to vector<16xi32>
      %and3A_32 = arith.andi %get3A_28, %and3A_31 : vector<16xi32>
      %shift_left3A = arith.constant 3 : i32
      %shift_left3A_33 = vector.broadcast %shift_left3A : i32 to vector<16xi32>
      %shift_left3A_34 = arith.shli %and3A_32, %shift_left3A_33 : vector<16xi32>
      %add3A_35 = arith.addi %shift_left3A_34, %select_n3A : vector<16xi32>
      tpu.vector_store_idx %arg6[%shift_right_logical3A_30, %add3A_35], %broadcast_in_dim3A_19 masked %lt3A_14 {add = true} : memref<625x128xf32, #tpu.memory_space<vmem>>[vector<16xi32>, vector<16xi32>], vector<16xf32>, vector<16xi1>
      %add3A_36 = arith.addi %shift_left3A_34, %select_n3A_11 : vector<16xi32>
      tpu.vector_store_idx %arg6[%shift_right_logical3A_30, %add3A_36], %broadcast_in_dim3A_19 masked %ge3A_17 {add = true} : memref<625x128xf32, #tpu.memory_space<vmem>>[vector<16xi32>, vector<16xi32>], vector<16xf32>, vector<16xi1>
    }
    %scan3A_24 = arith.constant 625 : i32
    "tpu.region"() ({
      %run_scoped3A = tpu.sem_alloc : memref<!tpu.dma_semaphore, #tpu.memory_space<semaphore_mem>>
      %dma_start3A = arith.constant 0 : i32
      %dma_start3A_25 = arith.constant 0 : i32
      %dma_start3A_26 = tpu.memref_slice %arg4[%add3A, %dma_start3A, %dma_start3A_25] : memref<32x625x128xf32, #tpu.memory_space<hbm>> -> memref<1x625x128xf32, #tpu.memory_space<hbm>>
      %dma_start3A_27 = tpu.memref_squeeze %dma_start3A_26 : memref<1x625x128xf32, #tpu.memory_space<hbm>> -> memref<625x128xf32, #tpu.memory_space<hbm>>
      %dma_start3A_28 = arith.constant 0 : i32
      %dma_start3A_29 = arith.constant 0 : i32
      %dma_start3A_30 = tpu.memref_slice %arg4[%add3A, %dma_start3A_28, %dma_start3A_29] : memref<32x625x128xf32, #tpu.memory_space<hbm>> -> memref<1x625x128xf32, #tpu.memory_space<hbm>>
      %dma_start3A_31 = tpu.memref_squeeze %dma_start3A_30 : memref<1x625x128xf32, #tpu.memory_space<hbm>> -> memref<625x128xf32, #tpu.memory_space<hbm>>
      tpu.enqueue_dma source(%arg6 : memref<625x128xf32, #tpu.memory_space<vmem>>) target(%dma_start3A_31 : memref<625x128xf32, #tpu.memory_space<hbm>>) target_semaphore(%run_scoped3A : memref<!tpu.dma_semaphore, #tpu.memory_space<semaphore_mem>>)
      %dma_wait3A = arith.constant 0 : i32
      %dma_wait3A_32 = arith.constant 0 : i32
      %dma_wait3A_33 = tpu.memref_slice %arg4[%add3A, %dma_wait3A, %dma_wait3A_32] : memref<32x625x128xf32, #tpu.memory_space<hbm>> -> memref<1x625x128xf32, #tpu.memory_space<hbm>>
      %dma_wait3A_34 = tpu.memref_squeeze %dma_wait3A_33 : memref<1x625x128xf32, #tpu.memory_space<hbm>> -> memref<625x128xf32, #tpu.memory_space<hbm>>
      %dma_wait3A_35 = arith.constant 0 : i32
      %dma_wait3A_36 = arith.constant 0 : i32
      %dma_wait3A_37 = tpu.memref_slice %arg4[%add3A, %dma_wait3A_35, %dma_wait3A_36] : memref<32x625x128xf32, #tpu.memory_space<hbm>> -> memref<1x625x128xf32, #tpu.memory_space<hbm>>
      %dma_wait3A_38 = tpu.memref_squeeze %dma_wait3A_37 : memref<1x625x128xf32, #tpu.memory_space<hbm>> -> memref<625x128xf32, #tpu.memory_space<hbm>>
      tpu.wait_dma2 semaphore(%run_scoped3A : memref<!tpu.dma_semaphore, #tpu.memory_space<semaphore_mem>>) src(%arg6 : memref<625x128xf32, #tpu.memory_space<vmem>>) dst(%dma_wait3A_38 : memref<625x128xf32, #tpu.memory_space<hbm>>)
      tpu.yield
    }) : () -> ()
    return
  }
}

#map = affine_map<(d0, d1) -> (0)>
#map1 = affine_map<(d0, d1) -> (0, 0, 0)>
#map2 = affine_map<(d0, d1) -> (0, 0)>
module attributes {stable_mosaic.version = 14 : i64} {
  func.func @_sc_agg_body(%arg0: i32, %arg1: i32, %arg2: memref<320000xi32, #tpu.memory_space<hbm>>, %arg3: memref<32x125x80xi32, #tpu.memory_space<hbm>>, %arg4: memref<10000x128xf32, #tpu.memory_space<hbm>>, %arg5: memref<10000x128xf32, #tpu.memory_space<hbm>>, %arg6: memref<10000x128xf32, #tpu.memory_space<hbm>>, %arg7: memref<10000x128xf32, #tpu.memory_space<hbm>>, %arg8: memref<10000xi32, #tpu.memory_space<vmem>>, %arg9: memref<125x80xi32, #tpu.memory_space<vmem>>, %arg10: memref<80x128xf32, #tpu.memory_space<vmem>>, %arg11: memref<80x128xf32, #tpu.memory_space<vmem>>, %arg12: memref<!tpu.dma_semaphore, #tpu.memory_space<semaphore_mem>>, %arg13: memref<!tpu.dma_semaphore, #tpu.memory_space<semaphore_mem>>, %arg14: memref<!tpu.dma_semaphore, #tpu.memory_space<semaphore_mem>>, %arg15: memref<!tpu.dma_semaphore, #tpu.memory_space<semaphore_mem>>, %arg16: memref<10000x128xf32, #tpu.memory_space<vmem_shared>>) attributes {dimension_semantics = [#tpu.dimension_semantics<core_parallel>, #tpu.dimension_semantics<subcore_parallel>], iteration_bounds = array<i64: 2, 16>, scalar_prefetch = 0 : i64, scratch_operands = 9 : i64, tpu.core_type = #tpu.core_type<sc_vector_subcore>, window_params = [{transform_indices = #map}, {transform_indices = #map1}, {transform_indices = #map2}, {transform_indices = #map2}, {transform_indices = #map2}, {transform_indices = #map2}]} {
    %mul3A = arith.constant 2 : i32
    %mul3A_0 = arith.muli %arg1, %mul3A : i32
    %add3A = arith.addi %mul3A_0, %arg0 : i32
    %mul3A_1 = arith.constant 624 : i32
    %mul3A_2 = arith.muli %arg1, %mul3A_1 : i32
    %eq3A = arith.constant 0 : i32
    %eq3A_3 = arith.cmpi eq, %arg0, %eq3A : i32
    %convert_element_type3A = arith.extui %eq3A_3 : i1 to i32
    %cond3A = arith.constant 0 : i32
    %cond3A_4 = arith.cmpi ne, %convert_element_type3A, %cond3A : i32
    scf.if %cond3A_4 {
      "tpu.region"() ({
        %run_scoped3A_50 = tpu.sem_alloc : memref<!tpu.dma_semaphore, #tpu.memory_space<semaphore_mem>>
        %dma_start3A_51 = arith.constant 0 : i32
        %dma_start3A_52 = tpu.memref_slice %arg16[%mul3A_2, %dma_start3A_51] : memref<10000x128xf32, #tpu.memory_space<vmem_shared>> -> memref<624x128xf32, #tpu.memory_space<vmem_shared>>
        %dma_start3A_53 = arith.constant 0 : i32
        %dma_start3A_54 = tpu.memref_slice %arg4[%mul3A_2, %dma_start3A_53] : memref<10000x128xf32, #tpu.memory_space<hbm>> -> memref<624x128xf32, #tpu.memory_space<hbm>>
        tpu.enqueue_dma source(%dma_start3A_54 : memref<624x128xf32, #tpu.memory_space<hbm>>) target(%dma_start3A_52 : memref<624x128xf32, #tpu.memory_space<vmem_shared>>) target_semaphore(%run_scoped3A_50 : memref<!tpu.dma_semaphore, #tpu.memory_space<semaphore_mem>>)
        %dma_wait3A_55 = arith.constant 0 : i32
        %dma_wait3A_56 = tpu.memref_slice %arg16[%mul3A_2, %dma_wait3A_55] : memref<10000x128xf32, #tpu.memory_space<vmem_shared>> -> memref<624x128xf32, #tpu.memory_space<vmem_shared>>
        %dma_wait3A_57 = arith.constant 0 : i32
        %dma_wait3A_58 = tpu.memref_slice %arg4[%mul3A_2, %dma_wait3A_57] : memref<10000x128xf32, #tpu.memory_space<hbm>> -> memref<624x128xf32, #tpu.memory_space<hbm>>
        tpu.wait_dma2 semaphore(%run_scoped3A_50 : memref<!tpu.dma_semaphore, #tpu.memory_space<semaphore_mem>>) src(%dma_wait3A_58 : memref<624x128xf32, #tpu.memory_space<hbm>>) dst(%dma_wait3A_56 : memref<624x128xf32, #tpu.memory_space<vmem_shared>>)
        tpu.yield
      }) : () -> ()
      %eq3A_45 = arith.constant 15 : i32
      %eq3A_46 = arith.cmpi eq, %arg1, %eq3A_45 : i32
      %convert_element_type3A_47 = arith.extui %eq3A_46 : i1 to i32
      %cond3A_48 = arith.constant 0 : i32
      %cond3A_49 = arith.cmpi ne, %convert_element_type3A_47, %cond3A_48 : i32
      scf.if %cond3A_49 {
        "tpu.region"() ({
          %run_scoped3A_50 = tpu.sem_alloc : memref<!tpu.dma_semaphore, #tpu.memory_space<semaphore_mem>>
          %dma_start3A_51 = arith.constant 9984 : i32
          %dma_start3A_52 = arith.constant 0 : i32
          %dma_start3A_53 = tpu.memref_slice %arg16[%dma_start3A_51, %dma_start3A_52] : memref<10000x128xf32, #tpu.memory_space<vmem_shared>> -> memref<16x128xf32, #tpu.memory_space<vmem_shared>>
          %dma_start3A_54 = arith.constant 9984 : i32
          %dma_start3A_55 = arith.constant 0 : i32
          %dma_start3A_56 = tpu.memref_slice %arg4[%dma_start3A_54, %dma_start3A_55] : memref<10000x128xf32, #tpu.memory_space<hbm>> -> memref<16x128xf32, #tpu.memory_space<hbm>>
          tpu.enqueue_dma source(%dma_start3A_56 : memref<16x128xf32, #tpu.memory_space<hbm>>) target(%dma_start3A_53 : memref<16x128xf32, #tpu.memory_space<vmem_shared>>) target_semaphore(%run_scoped3A_50 : memref<!tpu.dma_semaphore, #tpu.memory_space<semaphore_mem>>)
          %dma_wait3A_57 = arith.constant 9984 : i32
          %dma_wait3A_58 = arith.constant 0 : i32
          %dma_wait3A_59 = tpu.memref_slice %arg16[%dma_wait3A_57, %dma_wait3A_58] : memref<10000x128xf32, #tpu.memory_space<vmem_shared>> -> memref<16x128xf32, #tpu.memory_space<vmem_shared>>
          %dma_wait3A_60 = arith.constant 9984 : i32
          %dma_wait3A_61 = arith.constant 0 : i32
          %dma_wait3A_62 = tpu.memref_slice %arg4[%dma_wait3A_60, %dma_wait3A_61] : memref<10000x128xf32, #tpu.memory_space<hbm>> -> memref<16x128xf32, #tpu.memory_space<hbm>>
          tpu.wait_dma2 semaphore(%run_scoped3A_50 : memref<!tpu.dma_semaphore, #tpu.memory_space<semaphore_mem>>) src(%dma_wait3A_62 : memref<16x128xf32, #tpu.memory_space<hbm>>) dst(%dma_wait3A_59 : memref<16x128xf32, #tpu.memory_space<vmem_shared>>)
          tpu.yield
        }) : () -> ()
      } else {
      }
    } else {
    }
    %eq3A_5 = arith.constant 1 : i32
    %eq3A_6 = arith.cmpi eq, %arg0, %eq3A_5 : i32
    %convert_element_type3A_7 = arith.extui %eq3A_6 : i1 to i32
    %cond3A_8 = arith.constant 0 : i32
    %cond3A_9 = arith.cmpi ne, %convert_element_type3A_7, %cond3A_8 : i32
    scf.if %cond3A_9 {
      "tpu.region"() ({
        %run_scoped3A_50 = tpu.sem_alloc : memref<!tpu.dma_semaphore, #tpu.memory_space<semaphore_mem>>
        %dma_start3A_51 = arith.constant 0 : i32
        %dma_start3A_52 = tpu.memref_slice %arg16[%mul3A_2, %dma_start3A_51] : memref<10000x128xf32, #tpu.memory_space<vmem_shared>> -> memref<624x128xf32, #tpu.memory_space<vmem_shared>>
        %dma_start3A_53 = arith.constant 0 : i32
        %dma_start3A_54 = tpu.memref_slice %arg5[%mul3A_2, %dma_start3A_53] : memref<10000x128xf32, #tpu.memory_space<hbm>> -> memref<624x128xf32, #tpu.memory_space<hbm>>
        tpu.enqueue_dma source(%dma_start3A_54 : memref<624x128xf32, #tpu.memory_space<hbm>>) target(%dma_start3A_52 : memref<624x128xf32, #tpu.memory_space<vmem_shared>>) target_semaphore(%run_scoped3A_50 : memref<!tpu.dma_semaphore, #tpu.memory_space<semaphore_mem>>)
        %dma_wait3A_55 = arith.constant 0 : i32
        %dma_wait3A_56 = tpu.memref_slice %arg16[%mul3A_2, %dma_wait3A_55] : memref<10000x128xf32, #tpu.memory_space<vmem_shared>> -> memref<624x128xf32, #tpu.memory_space<vmem_shared>>
        %dma_wait3A_57 = arith.constant 0 : i32
        %dma_wait3A_58 = tpu.memref_slice %arg5[%mul3A_2, %dma_wait3A_57] : memref<10000x128xf32, #tpu.memory_space<hbm>> -> memref<624x128xf32, #tpu.memory_space<hbm>>
        tpu.wait_dma2 semaphore(%run_scoped3A_50 : memref<!tpu.dma_semaphore, #tpu.memory_space<semaphore_mem>>) src(%dma_wait3A_58 : memref<624x128xf32, #tpu.memory_space<hbm>>) dst(%dma_wait3A_56 : memref<624x128xf32, #tpu.memory_space<vmem_shared>>)
        tpu.yield
      }) : () -> ()
      %eq3A_45 = arith.constant 15 : i32
      %eq3A_46 = arith.cmpi eq, %arg1, %eq3A_45 : i32
      %convert_element_type3A_47 = arith.extui %eq3A_46 : i1 to i32
      %cond3A_48 = arith.constant 0 : i32
      %cond3A_49 = arith.cmpi ne, %convert_element_type3A_47, %cond3A_48 : i32
      scf.if %cond3A_49 {
        "tpu.region"() ({
          %run_scoped3A_50 = tpu.sem_alloc : memref<!tpu.dma_semaphore, #tpu.memory_space<semaphore_mem>>
          %dma_start3A_51 = arith.constant 9984 : i32
          %dma_start3A_52 = arith.constant 0 : i32
          %dma_start3A_53 = tpu.memref_slice %arg16[%dma_start3A_51, %dma_start3A_52] : memref<10000x128xf32, #tpu.memory_space<vmem_shared>> -> memref<16x128xf32, #tpu.memory_space<vmem_shared>>
          %dma_start3A_54 = arith.constant 9984 : i32
          %dma_start3A_55 = arith.constant 0 : i32
          %dma_start3A_56 = tpu.memref_slice %arg5[%dma_start3A_54, %dma_start3A_55] : memref<10000x128xf32, #tpu.memory_space<hbm>> -> memref<16x128xf32, #tpu.memory_space<hbm>>
          tpu.enqueue_dma source(%dma_start3A_56 : memref<16x128xf32, #tpu.memory_space<hbm>>) target(%dma_start3A_53 : memref<16x128xf32, #tpu.memory_space<vmem_shared>>) target_semaphore(%run_scoped3A_50 : memref<!tpu.dma_semaphore, #tpu.memory_space<semaphore_mem>>)
          %dma_wait3A_57 = arith.constant 9984 : i32
          %dma_wait3A_58 = arith.constant 0 : i32
          %dma_wait3A_59 = tpu.memref_slice %arg16[%dma_wait3A_57, %dma_wait3A_58] : memref<10000x128xf32, #tpu.memory_space<vmem_shared>> -> memref<16x128xf32, #tpu.memory_space<vmem_shared>>
          %dma_wait3A_60 = arith.constant 9984 : i32
          %dma_wait3A_61 = arith.constant 0 : i32
          %dma_wait3A_62 = tpu.memref_slice %arg5[%dma_wait3A_60, %dma_wait3A_61] : memref<10000x128xf32, #tpu.memory_space<hbm>> -> memref<16x128xf32, #tpu.memory_space<hbm>>
          tpu.wait_dma2 semaphore(%run_scoped3A_50 : memref<!tpu.dma_semaphore, #tpu.memory_space<semaphore_mem>>) src(%dma_wait3A_62 : memref<16x128xf32, #tpu.memory_space<hbm>>) dst(%dma_wait3A_59 : memref<16x128xf32, #tpu.memory_space<vmem_shared>>)
          tpu.yield
        }) : () -> ()
      } else {
      }
    } else {
    }
    %mul3A_10 = arith.constant 10000 : i32
    %mul3A_11 = arith.muli %add3A, %mul3A_10 : i32
    "tpu.region"() ({
      %run_scoped3A_45 = tpu.sem_alloc : memref<!tpu.dma_semaphore, #tpu.memory_space<semaphore_mem>>
      %dma_start3A_46 = tpu.memref_slice %arg2[%mul3A_11] : memref<320000xi32, #tpu.memory_space<hbm>> -> memref<10000xi32, #tpu.memory_space<hbm>>
      %dma_start3A_47 = tpu.memref_slice %arg2[%mul3A_11] : memref<320000xi32, #tpu.memory_space<hbm>> -> memref<10000xi32, #tpu.memory_space<hbm>>
      tpu.enqueue_dma source(%dma_start3A_47 : memref<10000xi32, #tpu.memory_space<hbm>>) target(%arg8 : memref<10000xi32, #tpu.memory_space<vmem>>) target_semaphore(%run_scoped3A_45 : memref<!tpu.dma_semaphore, #tpu.memory_space<semaphore_mem>>)
      %dma_wait3A_48 = tpu.memref_slice %arg2[%mul3A_11] : memref<320000xi32, #tpu.memory_space<hbm>> -> memref<10000xi32, #tpu.memory_space<hbm>>
      %dma_wait3A_49 = tpu.memref_slice %arg2[%mul3A_11] : memref<320000xi32, #tpu.memory_space<hbm>> -> memref<10000xi32, #tpu.memory_space<hbm>>
      tpu.wait_dma2 semaphore(%run_scoped3A_45 : memref<!tpu.dma_semaphore, #tpu.memory_space<semaphore_mem>>) src(%dma_wait3A_49 : memref<10000xi32, #tpu.memory_space<hbm>>) dst(%arg8 : memref<10000xi32, #tpu.memory_space<vmem>>)
      tpu.yield
    }) : () -> ()
    "tpu.region"() ({
      %run_scoped3A_45 = tpu.sem_alloc : memref<!tpu.dma_semaphore, #tpu.memory_space<semaphore_mem>>
      %dma_start3A_46 = arith.constant 0 : i32
      %dma_start3A_47 = arith.constant 0 : i32
      %dma_start3A_48 = tpu.memref_slice %arg3[%add3A, %dma_start3A_46, %dma_start3A_47] : memref<32x125x80xi32, #tpu.memory_space<hbm>> -> memref<1x125x80xi32, #tpu.memory_space<hbm>>
      %dma_start3A_49 = tpu.memref_squeeze %dma_start3A_48 : memref<1x125x80xi32, #tpu.memory_space<hbm>> -> memref<125x80xi32, #tpu.memory_space<hbm>>
      %dma_start3A_50 = arith.constant 0 : i32
      %dma_start3A_51 = arith.constant 0 : i32
      %dma_start3A_52 = tpu.memref_slice %arg3[%add3A, %dma_start3A_50, %dma_start3A_51] : memref<32x125x80xi32, #tpu.memory_space<hbm>> -> memref<1x125x80xi32, #tpu.memory_space<hbm>>
      %dma_start3A_53 = tpu.memref_squeeze %dma_start3A_52 : memref<1x125x80xi32, #tpu.memory_space<hbm>> -> memref<125x80xi32, #tpu.memory_space<hbm>>
      tpu.enqueue_dma source(%dma_start3A_53 : memref<125x80xi32, #tpu.memory_space<hbm>>) target(%arg9 : memref<125x80xi32, #tpu.memory_space<vmem>>) target_semaphore(%run_scoped3A_45 : memref<!tpu.dma_semaphore, #tpu.memory_space<semaphore_mem>>)
      %dma_wait3A_54 = arith.constant 0 : i32
      %dma_wait3A_55 = arith.constant 0 : i32
      %dma_wait3A_56 = tpu.memref_slice %arg3[%add3A, %dma_wait3A_54, %dma_wait3A_55] : memref<32x125x80xi32, #tpu.memory_space<hbm>> -> memref<1x125x80xi32, #tpu.memory_space<hbm>>
      %dma_wait3A_57 = tpu.memref_squeeze %dma_wait3A_56 : memref<1x125x80xi32, #tpu.memory_space<hbm>> -> memref<125x80xi32, #tpu.memory_space<hbm>>
      %dma_wait3A_58 = arith.constant 0 : i32
      %dma_wait3A_59 = arith.constant 0 : i32
      %dma_wait3A_60 = tpu.memref_slice %arg3[%add3A, %dma_wait3A_58, %dma_wait3A_59] : memref<32x125x80xi32, #tpu.memory_space<hbm>> -> memref<1x125x80xi32, #tpu.memory_space<hbm>>
      %dma_wait3A_61 = tpu.memref_squeeze %dma_wait3A_60 : memref<1x125x80xi32, #tpu.memory_space<hbm>> -> memref<125x80xi32, #tpu.memory_space<hbm>>
      tpu.wait_dma2 semaphore(%run_scoped3A_45 : memref<!tpu.dma_semaphore, #tpu.memory_space<semaphore_mem>>) src(%dma_wait3A_61 : memref<125x80xi32, #tpu.memory_space<hbm>>) dst(%arg9 : memref<125x80xi32, #tpu.memory_space<vmem>>)
      tpu.yield
    }) : () -> ()
    %barrier3A = arith.constant 0 : index
    tpu.barrier barrier_id(%barrier3A)
    "tpu.region"() ({
      %run_scoped3A_45 = tpu.sem_alloc : memref<!tpu.dma_semaphore, #tpu.memory_space<semaphore_mem>>
      %dma_start3A_46 = arith.constant 0 : i32
      %dma_start3A_47 = tpu.memref_slice %arg8[%dma_start3A_46] : memref<10000xi32, #tpu.memory_space<vmem>> -> memref<80xi32, #tpu.memory_space<vmem>>
      %dma_start3A_48 = arith.constant 0 : i32
      %dma_start3A_49 = arith.constant 0 : i32
      %dma_start3A_50 = tpu.memref_slice %arg4[%dma_start3A_48, %dma_start3A_49] : memref<10000x128xf32, #tpu.memory_space<hbm>> -> memref<10000x128xf32, #tpu.memory_space<hbm>>
      tpu.enqueue_indirect_dma source(%dma_start3A_50 : memref<10000x128xf32, #tpu.memory_space<hbm>>) target(%arg10 : memref<80x128xf32, #tpu.memory_space<vmem>>) offsets(%dma_start3A_47 : memref<80xi32, #tpu.memory_space<vmem>>) semaphore(%run_scoped3A_45 : memref<!tpu.dma_semaphore, #tpu.memory_space<semaphore_mem>>)
      %dma_wait3A_51 = arith.constant 0 : i32
      %dma_wait3A_52 = tpu.memref_slice %arg8[%dma_wait3A_51] : memref<10000xi32, #tpu.memory_space<vmem>> -> memref<80xi32, #tpu.memory_space<vmem>>
      %dma_wait3A_53 = arith.constant 0 : i32
      %dma_wait3A_54 = arith.constant 0 : i32
      %dma_wait3A_55 = tpu.memref_slice %arg4[%dma_wait3A_53, %dma_wait3A_54] : memref<10000x128xf32, #tpu.memory_space<hbm>> -> memref<10000x128xf32, #tpu.memory_space<hbm>>
      tpu.wait_indirect_dma semaphore(%run_scoped3A_45 : memref<!tpu.dma_semaphore, #tpu.memory_space<semaphore_mem>>) src(%dma_wait3A_55 : memref<10000x128xf32, #tpu.memory_space<hbm>>) dst(%arg10 : memref<80x128xf32, #tpu.memory_space<vmem>>)
      tpu.yield
    }) : () -> ()
    %run_scoped3A = arith.constant 0 : i32
    "tpu.region"() ({
      %run_scoped3A_45 = tpu.sem_alloc : memref<!tpu.dma_semaphore, #tpu.memory_space<semaphore_mem>>
      %dma_start3A_46 = arith.constant 0 : i32
      %dma_start3A_47 = tpu.memref_slice %arg9[%run_scoped3A, %dma_start3A_46] : memref<125x80xi32, #tpu.memory_space<vmem>> -> memref<1x80xi32, #tpu.memory_space<vmem>>
      %dma_start3A_48 = tpu.memref_squeeze %dma_start3A_47 : memref<1x80xi32, #tpu.memory_space<vmem>> -> memref<80xi32, #tpu.memory_space<vmem>>
      %dma_start3A_49 = arith.constant 0 : i32
      %dma_start3A_50 = arith.constant 0 : i32
      %dma_start3A_51 = tpu.memref_slice %arg16[%dma_start3A_49, %dma_start3A_50] : memref<10000x128xf32, #tpu.memory_space<vmem_shared>> -> memref<10000x128xf32, #tpu.memory_space<vmem_shared>>
      tpu.enqueue_indirect_dma source(%arg10 : memref<80x128xf32, #tpu.memory_space<vmem>>) target(%dma_start3A_51 : memref<10000x128xf32, #tpu.memory_space<vmem_shared>>) offsets(%dma_start3A_48 : memref<80xi32, #tpu.memory_space<vmem>>) semaphore(%run_scoped3A_45 : memref<!tpu.dma_semaphore, #tpu.memory_space<semaphore_mem>>) {add = true}
      %dma_wait3A_52 = arith.constant 0 : i32
      %dma_wait3A_53 = tpu.memref_slice %arg9[%run_scoped3A, %dma_wait3A_52] : memref<125x80xi32, #tpu.memory_space<vmem>> -> memref<1x80xi32, #tpu.memory_space<vmem>>
      %dma_wait3A_54 = tpu.memref_squeeze %dma_wait3A_53 : memref<1x80xi32, #tpu.memory_space<vmem>> -> memref<80xi32, #tpu.memory_space<vmem>>
      %dma_wait3A_55 = arith.constant 0 : i32
      %dma_wait3A_56 = arith.constant 0 : i32
      %dma_wait3A_57 = tpu.memref_slice %arg16[%dma_wait3A_55, %dma_wait3A_56] : memref<10000x128xf32, #tpu.memory_space<vmem_shared>> -> memref<10000x128xf32, #tpu.memory_space<vmem_shared>>
      tpu.wait_indirect_dma semaphore(%run_scoped3A_45 : memref<!tpu.dma_semaphore, #tpu.memory_space<semaphore_mem>>) src(%arg10 : memref<80x128xf32, #tpu.memory_space<vmem>>) dst(%dma_wait3A_57 : memref<10000x128xf32, #tpu.memory_space<vmem_shared>>)
      tpu.yield
    }) : () -> ()
    %dma_start3A = arith.constant 80 : i32
    %dma_start3A_12 = tpu.memref_slice %arg8[%dma_start3A] : memref<10000xi32, #tpu.memory_space<vmem>> -> memref<80xi32, #tpu.memory_space<vmem>>
    %dma_start3A_13 = arith.constant 0 : i32
    %dma_start3A_14 = arith.constant 0 : i32
    %dma_start3A_15 = tpu.memref_slice %arg4[%dma_start3A_13, %dma_start3A_14] : memref<10000x128xf32, #tpu.memory_space<hbm>> -> memref<10000x128xf32, #tpu.memory_space<hbm>>
    tpu.enqueue_indirect_dma source(%dma_start3A_15 : memref<10000x128xf32, #tpu.memory_space<hbm>>) target(%arg10 : memref<80x128xf32, #tpu.memory_space<vmem>>) offsets(%dma_start3A_12 : memref<80xi32, #tpu.memory_space<vmem>>) semaphore(%arg12 : memref<!tpu.dma_semaphore, #tpu.memory_space<semaphore_mem>>)
    %scan3A = arith.constant 0 : i32
    %scan3A_16 = arith.constant 0 : i32
    %scan3A_17 = arith.constant 62 : i32
    %scan3A_18 = arith.addi %scan3A_16, %scan3A_17 : i32
    %scan3A_19 = arith.constant 1 : i32
    scf.for %scan3A_45 = %scan3A_16 to %scan3A_18 step %scan3A_19  : i32 {
      %mul3A_46 = arith.constant 2 : i32
      %mul3A_47 = arith.muli %mul3A_46, %scan3A_45 : i32
      %add3A_48 = arith.constant 1 : i32
      %add3A_49 = arith.addi %mul3A_47, %add3A_48 : i32
      %add3A_50 = arith.constant 1 : i32
      %add3A_51 = arith.addi %add3A_49, %add3A_50 : i32
      %gt3A = arith.constant 0 : i32
      %gt3A_52 = arith.cmpi sgt, %scan3A_45, %gt3A : i32
      %convert_element_type3A_53 = arith.extui %gt3A_52 : i1 to i32
      %cond3A_54 = arith.constant 0 : i32
      %cond3A_55 = arith.cmpi ne, %convert_element_type3A_53, %cond3A_54 : i32
      scf.if %cond3A_55 {
        %sub3A = arith.constant 2 : i32
        %sub3A_92 = arith.subi %add3A_51, %sub3A : i32
        %dma_wait3A_93 = arith.constant 0 : i32
        %dma_wait3A_94 = tpu.memref_slice %arg9[%sub3A_92, %dma_wait3A_93] : memref<125x80xi32, #tpu.memory_space<vmem>> -> memref<1x80xi32, #tpu.memory_space<vmem>>
        %dma_wait3A_95 = tpu.memref_squeeze %dma_wait3A_94 : memref<1x80xi32, #tpu.memory_space<vmem>> -> memref<80xi32, #tpu.memory_space<vmem>>
        %dma_wait3A_96 = arith.constant 0 : i32
        %dma_wait3A_97 = arith.constant 0 : i32
        %dma_wait3A_98 = tpu.memref_slice %arg16[%dma_wait3A_96, %dma_wait3A_97] : memref<10000x128xf32, #tpu.memory_space<vmem_shared>> -> memref<10000x128xf32, #tpu.memory_space<vmem_shared>>
        tpu.wait_indirect_dma semaphore(%arg15 : memref<!tpu.dma_semaphore, #tpu.memory_space<semaphore_mem>>) src(%arg11 : memref<80x128xf32, #tpu.memory_space<vmem>>) dst(%dma_wait3A_98 : memref<10000x128xf32, #tpu.memory_space<vmem_shared>>)
      } else {
      }
      %mul3A_56 = arith.constant 80 : i32
      %mul3A_57 = arith.muli %add3A_51, %mul3A_56 : i32
      %dma_start3A_58 = tpu.memref_slice %arg8[%mul3A_57] : memref<10000xi32, #tpu.memory_space<vmem>> -> memref<80xi32, #tpu.memory_space<vmem>>
      %dma_start3A_59 = arith.constant 0 : i32
      %dma_start3A_60 = arith.constant 0 : i32
      %dma_start3A_61 = tpu.memref_slice %arg4[%dma_start3A_59, %dma_start3A_60] : memref<10000x128xf32, #tpu.memory_space<hbm>> -> memref<10000x128xf32, #tpu.memory_space<hbm>>
      tpu.enqueue_indirect_dma source(%dma_start3A_61 : memref<10000x128xf32, #tpu.memory_space<hbm>>) target(%arg11 : memref<80x128xf32, #tpu.memory_space<vmem>>) offsets(%dma_start3A_58 : memref<80xi32, #tpu.memory_space<vmem>>) semaphore(%arg13 : memref<!tpu.dma_semaphore, #tpu.memory_space<semaphore_mem>>)
      %mul3A_62 = arith.constant 80 : i32
      %mul3A_63 = arith.muli %add3A_49, %mul3A_62 : i32
      %dma_wait3A_64 = tpu.memref_slice %arg8[%mul3A_63] : memref<10000xi32, #tpu.memory_space<vmem>> -> memref<80xi32, #tpu.memory_space<vmem>>
      %dma_wait3A_65 = arith.constant 0 : i32
      %dma_wait3A_66 = arith.constant 0 : i32
      %dma_wait3A_67 = tpu.memref_slice %arg4[%dma_wait3A_65, %dma_wait3A_66] : memref<10000x128xf32, #tpu.memory_space<hbm>> -> memref<10000x128xf32, #tpu.memory_space<hbm>>
      tpu.wait_indirect_dma semaphore(%arg12 : memref<!tpu.dma_semaphore, #tpu.memory_space<semaphore_mem>>) src(%dma_wait3A_67 : memref<10000x128xf32, #tpu.memory_space<hbm>>) dst(%arg10 : memref<80x128xf32, #tpu.memory_space<vmem>>)
      %dma_start3A_68 = arith.constant 0 : i32
      %dma_start3A_69 = tpu.memref_slice %arg9[%add3A_49, %dma_start3A_68] : memref<125x80xi32, #tpu.memory_space<vmem>> -> memref<1x80xi32, #tpu.memory_space<vmem>>
      %dma_start3A_70 = tpu.memref_squeeze %dma_start3A_69 : memref<1x80xi32, #tpu.memory_space<vmem>> -> memref<80xi32, #tpu.memory_space<vmem>>
      %dma_start3A_71 = arith.constant 0 : i32
      %dma_start3A_72 = arith.constant 0 : i32
      %dma_start3A_73 = tpu.memref_slice %arg16[%dma_start3A_71, %dma_start3A_72] : memref<10000x128xf32, #tpu.memory_space<vmem_shared>> -> memref<10000x128xf32, #tpu.memory_space<vmem_shared>>
      tpu.enqueue_indirect_dma source(%arg10 : memref<80x128xf32, #tpu.memory_space<vmem>>) target(%dma_start3A_73 : memref<10000x128xf32, #tpu.memory_space<vmem_shared>>) offsets(%dma_start3A_70 : memref<80xi32, #tpu.memory_space<vmem>>) semaphore(%arg14 : memref<!tpu.dma_semaphore, #tpu.memory_space<semaphore_mem>>) {add = true}
      %add3A_74 = arith.constant 1 : i32
      %add3A_75 = arith.addi %add3A_51, %add3A_74 : i32
      %lt3A = arith.constant 125 : i32
      %lt3A_76 = arith.cmpi slt, %add3A_75, %lt3A : i32
      %convert_element_type3A_77 = arith.extui %lt3A_76 : i1 to i32
      %cond3A_78 = arith.constant 0 : i32
      %cond3A_79 = arith.cmpi ne, %convert_element_type3A_77, %cond3A_78 : i32
      scf.if %cond3A_79 {
        %dma_wait3A_92 = arith.constant 0 : i32
        %dma_wait3A_93 = tpu.memref_slice %arg9[%add3A_49, %dma_wait3A_92] : memref<125x80xi32, #tpu.memory_space<vmem>> -> memref<1x80xi32, #tpu.memory_space<vmem>>
        %dma_wait3A_94 = tpu.memref_squeeze %dma_wait3A_93 : memref<1x80xi32, #tpu.memory_space<vmem>> -> memref<80xi32, #tpu.memory_space<vmem>>
        %dma_wait3A_95 = arith.constant 0 : i32
        %dma_wait3A_96 = arith.constant 0 : i32
        %dma_wait3A_97 = tpu.memref_slice %arg16[%dma_wait3A_95, %dma_wait3A_96] : memref<10000x128xf32, #tpu.memory_space<vmem_shared>> -> memref<10000x128xf32, #tpu.memory_space<vmem_shared>>
        tpu.wait_indirect_dma semaphore(%arg14 : memref<!tpu.dma_semaphore, #tpu.memory_space<semaphore_mem>>) src(%arg10 : memref<80x128xf32, #tpu.memory_space<vmem>>) dst(%dma_wait3A_97 : memref<10000x128xf32, #tpu.memory_space<vmem_shared>>)
        %add3A_98 = arith.constant 1 : i32
        %add3A_99 = arith.addi %add3A_51, %add3A_98 : i32
        %mul3A_100 = arith.constant 80 : i32
        %mul3A_101 = arith.muli %add3A_99, %mul3A_100 : i32
        %dma_start3A_102 = tpu.memref_slice %arg8[%mul3A_101] : memref<10000xi32, #tpu.memory_space<vmem>> -> memref<80xi32, #tpu.memory_space<vmem>>
        %dma_start3A_103 = arith.constant 0 : i32
        %dma_start3A_104 = arith.constant 0 : i32
        %dma_start3A_105 = tpu.memref_slice %arg4[%dma_start3A_103, %dma_start3A_104] : memref<10000x128xf32, #tpu.memory_space<hbm>> -> memref<10000x128xf32, #tpu.memory_space<hbm>>
        tpu.enqueue_indirect_dma source(%dma_start3A_105 : memref<10000x128xf32, #tpu.memory_space<hbm>>) target(%arg10 : memref<80x128xf32, #tpu.memory_space<vmem>>) offsets(%dma_start3A_102 : memref<80xi32, #tpu.memory_space<vmem>>) semaphore(%arg12 : memref<!tpu.dma_semaphore, #tpu.memory_space<semaphore_mem>>)
      } else {
      }
      %mul3A_80 = arith.constant 80 : i32
      %mul3A_81 = arith.muli %add3A_51, %mul3A_80 : i32
      %dma_wait3A_82 = tpu.memref_slice %arg8[%mul3A_81] : memref<10000xi32, #tpu.memory_space<vmem>> -> memref<80xi32, #tpu.memory_space<vmem>>
      %dma_wait3A_83 = arith.constant 0 : i32
      %dma_wait3A_84 = arith.constant 0 : i32
      %dma_wait3A_85 = tpu.memref_slice %arg4[%dma_wait3A_83, %dma_wait3A_84] : memref<10000x128xf32, #tpu.memory_space<hbm>> -> memref<10000x128xf32, #tpu.memory_space<hbm>>
      tpu.wait_indirect_dma semaphore(%arg13 : memref<!tpu.dma_semaphore, #tpu.memory_space<semaphore_mem>>) src(%dma_wait3A_85 : memref<10000x128xf32, #tpu.memory_space<hbm>>) dst(%arg11 : memref<80x128xf32, #tpu.memory_space<vmem>>)
      %dma_start3A_86 = arith.constant 0 : i32
      %dma_start3A_87 = tpu.memref_slice %arg9[%add3A_51, %dma_start3A_86] : memref<125x80xi32, #tpu.memory_space<vmem>> -> memref<1x80xi32, #tpu.memory_space<vmem>>
      %dma_start3A_88 = tpu.memref_squeeze %dma_start3A_87 : memref<1x80xi32, #tpu.memory_space<vmem>> -> memref<80xi32, #tpu.memory_space<vmem>>
      %dma_start3A_89 = arith.constant 0 : i32
      %dma_start3A_90 = arith.constant 0 : i32
      %dma_start3A_91 = tpu.memref_slice %arg16[%dma_start3A_89, %dma_start3A_90] : memref<10000x128xf32, #tpu.memory_space<vmem_shared>> -> memref<10000x128xf32, #tpu.memory_space<vmem_shared>>
      tpu.enqueue_indirect_dma source(%arg11 : memref<80x128xf32, #tpu.memory_space<vmem>>) target(%dma_start3A_91 : memref<10000x128xf32, #tpu.memory_space<vmem_shared>>) offsets(%dma_start3A_88 : memref<80xi32, #tpu.memory_space<vmem>>) semaphore(%arg15 : memref<!tpu.dma_semaphore, #tpu.memory_space<semaphore_mem>>) {add = true}
    }
    %scan3A_20 = arith.constant 62 : i32
    %dma_wait3A = arith.constant 123 : i32
    %dma_wait3A_21 = arith.constant 0 : i32
    %dma_wait3A_22 = tpu.memref_slice %arg9[%dma_wait3A, %dma_wait3A_21] : memref<125x80xi32, #tpu.memory_space<vmem>> -> memref<1x80xi32, #tpu.memory_space<vmem>>
    %dma_wait3A_23 = tpu.memref_squeeze %dma_wait3A_22 : memref<1x80xi32, #tpu.memory_space<vmem>> -> memref<80xi32, #tpu.memory_space<vmem>>
    %dma_wait3A_24 = arith.constant 0 : i32
    %dma_wait3A_25 = arith.constant 0 : i32
    %dma_wait3A_26 = tpu.memref_slice %arg16[%dma_wait3A_24, %dma_wait3A_25] : memref<10000x128xf32, #tpu.memory_space<vmem_shared>> -> memref<10000x128xf32, #tpu.memory_space<vmem_shared>>
    tpu.wait_indirect_dma semaphore(%arg14 : memref<!tpu.dma_semaphore, #tpu.memory_space<semaphore_mem>>) src(%arg10 : memref<80x128xf32, #tpu.memory_space<vmem>>) dst(%dma_wait3A_26 : memref<10000x128xf32, #tpu.memory_space<vmem_shared>>)
    %dma_wait3A_27 = arith.constant 124 : i32
    %dma_wait3A_28 = arith.constant 0 : i32
    %dma_wait3A_29 = tpu.memref_slice %arg9[%dma_wait3A_27, %dma_wait3A_28] : memref<125x80xi32, #tpu.memory_space<vmem>> -> memref<1x80xi32, #tpu.memory_space<vmem>>
    %dma_wait3A_30 = tpu.memref_squeeze %dma_wait3A_29 : memref<1x80xi32, #tpu.memory_space<vmem>> -> memref<80xi32, #tpu.memory_space<vmem>>
    %dma_wait3A_31 = arith.constant 0 : i32
    %dma_wait3A_32 = arith.constant 0 : i32
    %dma_wait3A_33 = tpu.memref_slice %arg16[%dma_wait3A_31, %dma_wait3A_32] : memref<10000x128xf32, #tpu.memory_space<vmem_shared>> -> memref<10000x128xf32, #tpu.memory_space<vmem_shared>>
    tpu.wait_indirect_dma semaphore(%arg15 : memref<!tpu.dma_semaphore, #tpu.memory_space<semaphore_mem>>) src(%arg11 : memref<80x128xf32, #tpu.memory_space<vmem>>) dst(%dma_wait3A_33 : memref<10000x128xf32, #tpu.memory_space<vmem_shared>>)
    %barrier3A_34 = arith.constant 0 : index
    tpu.barrier barrier_id(%barrier3A_34)
    %eq3A_35 = arith.constant 0 : i32
    %eq3A_36 = arith.cmpi eq, %arg0, %eq3A_35 : i32
    %convert_element_type3A_37 = arith.extui %eq3A_36 : i1 to i32
    %cond3A_38 = arith.constant 0 : i32
    %cond3A_39 = arith.cmpi ne, %convert_element_type3A_37, %cond3A_38 : i32
    scf.if %cond3A_39 {
      "tpu.region"() ({
        %run_scoped3A_50 = tpu.sem_alloc : memref<!tpu.dma_semaphore, #tpu.memory_space<semaphore_mem>>
        %dma_start3A_51 = arith.constant 0 : i32
        %dma_start3A_52 = tpu.memref_slice %arg6[%mul3A_2, %dma_start3A_51] : memref<10000x128xf32, #tpu.memory_space<hbm>> -> memref<624x128xf32, #tpu.memory_space<hbm>>
        %dma_start3A_53 = arith.constant 0 : i32
        %dma_start3A_54 = tpu.memref_slice %arg16[%mul3A_2, %dma_start3A_53] : memref<10000x128xf32, #tpu.memory_space<vmem_shared>> -> memref<624x128xf32, #tpu.memory_space<vmem_shared>>
        tpu.enqueue_dma source(%dma_start3A_54 : memref<624x128xf32, #tpu.memory_space<vmem_shared>>) target(%dma_start3A_52 : memref<624x128xf32, #tpu.memory_space<hbm>>) target_semaphore(%run_scoped3A_50 : memref<!tpu.dma_semaphore, #tpu.memory_space<semaphore_mem>>)
        %dma_wait3A_55 = arith.constant 0 : i32
        %dma_wait3A_56 = tpu.memref_slice %arg6[%mul3A_2, %dma_wait3A_55] : memref<10000x128xf32, #tpu.memory_space<hbm>> -> memref<624x128xf32, #tpu.memory_space<hbm>>
        %dma_wait3A_57 = arith.constant 0 : i32
        %dma_wait3A_58 = tpu.memref_slice %arg16[%mul3A_2, %dma_wait3A_57] : memref<10000x128xf32, #tpu.memory_space<vmem_shared>> -> memref<624x128xf32, #tpu.memory_space<vmem_shared>>
        tpu.wait_dma2 semaphore(%run_scoped3A_50 : memref<!tpu.dma_semaphore, #tpu.memory_space<semaphore_mem>>) src(%dma_wait3A_58 : memref<624x128xf32, #tpu.memory_space<vmem_shared>>) dst(%dma_wait3A_56 : memref<624x128xf32, #tpu.memory_space<hbm>>)
        tpu.yield
      }) : () -> ()
      %eq3A_45 = arith.constant 15 : i32
      %eq3A_46 = arith.cmpi eq, %arg1, %eq3A_45 : i32
      %convert_element_type3A_47 = arith.extui %eq3A_46 : i1 to i32
      %cond3A_48 = arith.constant 0 : i32
      %cond3A_49 = arith.cmpi ne, %convert_element_type3A_47, %cond3A_48 : i32
      scf.if %cond3A_49 {
        "tpu.region"() ({
          %run_scoped3A_50 = tpu.sem_alloc : memref<!tpu.dma_semaphore, #tpu.memory_space<semaphore_mem>>
          %dma_start3A_51 = arith.constant 9984 : i32
          %dma_start3A_52 = arith.constant 0 : i32
          %dma_start3A_53 = tpu.memref_slice %arg6[%dma_start3A_51, %dma_start3A_52] : memref<10000x128xf32, #tpu.memory_space<hbm>> -> memref<16x128xf32, #tpu.memory_space<hbm>>
          %dma_start3A_54 = arith.constant 9984 : i32
          %dma_start3A_55 = arith.constant 0 : i32
          %dma_start3A_56 = tpu.memref_slice %arg16[%dma_start3A_54, %dma_start3A_55] : memref<10000x128xf32, #tpu.memory_space<vmem_shared>> -> memref<16x128xf32, #tpu.memory_space<vmem_shared>>
          tpu.enqueue_dma source(%dma_start3A_56 : memref<16x128xf32, #tpu.memory_space<vmem_shared>>) target(%dma_start3A_53 : memref<16x128xf32, #tpu.memory_space<hbm>>) target_semaphore(%run_scoped3A_50 : memref<!tpu.dma_semaphore, #tpu.memory_space<semaphore_mem>>)
          %dma_wait3A_57 = arith.constant 9984 : i32
          %dma_wait3A_58 = arith.constant 0 : i32
          %dma_wait3A_59 = tpu.memref_slice %arg6[%dma_wait3A_57, %dma_wait3A_58] : memref<10000x128xf32, #tpu.memory_space<hbm>> -> memref<16x128xf32, #tpu.memory_space<hbm>>
          %dma_wait3A_60 = arith.constant 9984 : i32
          %dma_wait3A_61 = arith.constant 0 : i32
          %dma_wait3A_62 = tpu.memref_slice %arg16[%dma_wait3A_60, %dma_wait3A_61] : memref<10000x128xf32, #tpu.memory_space<vmem_shared>> -> memref<16x128xf32, #tpu.memory_space<vmem_shared>>
          tpu.wait_dma2 semaphore(%run_scoped3A_50 : memref<!tpu.dma_semaphore, #tpu.memory_space<semaphore_mem>>) src(%dma_wait3A_62 : memref<16x128xf32, #tpu.memory_space<vmem_shared>>) dst(%dma_wait3A_59 : memref<16x128xf32, #tpu.memory_space<hbm>>)
          tpu.yield
        }) : () -> ()
      } else {
      }
    } else {
    }
    %eq3A_40 = arith.constant 1 : i32
    %eq3A_41 = arith.cmpi eq, %arg0, %eq3A_40 : i32
    %convert_element_type3A_42 = arith.extui %eq3A_41 : i1 to i32
    %cond3A_43 = arith.constant 0 : i32
    %cond3A_44 = arith.cmpi ne, %convert_element_type3A_42, %cond3A_43 : i32
    scf.if %cond3A_44 {
      "tpu.region"() ({
        %run_scoped3A_50 = tpu.sem_alloc : memref<!tpu.dma_semaphore, #tpu.memory_space<semaphore_mem>>
        %dma_start3A_51 = arith.constant 0 : i32
        %dma_start3A_52 = tpu.memref_slice %arg7[%mul3A_2, %dma_start3A_51] : memref<10000x128xf32, #tpu.memory_space<hbm>> -> memref<624x128xf32, #tpu.memory_space<hbm>>
        %dma_start3A_53 = arith.constant 0 : i32
        %dma_start3A_54 = tpu.memref_slice %arg16[%mul3A_2, %dma_start3A_53] : memref<10000x128xf32, #tpu.memory_space<vmem_shared>> -> memref<624x128xf32, #tpu.memory_space<vmem_shared>>
        tpu.enqueue_dma source(%dma_start3A_54 : memref<624x128xf32, #tpu.memory_space<vmem_shared>>) target(%dma_start3A_52 : memref<624x128xf32, #tpu.memory_space<hbm>>) target_semaphore(%run_scoped3A_50 : memref<!tpu.dma_semaphore, #tpu.memory_space<semaphore_mem>>)
        %dma_wait3A_55 = arith.constant 0 : i32
        %dma_wait3A_56 = tpu.memref_slice %arg7[%mul3A_2, %dma_wait3A_55] : memref<10000x128xf32, #tpu.memory_space<hbm>> -> memref<624x128xf32, #tpu.memory_space<hbm>>
        %dma_wait3A_57 = arith.constant 0 : i32
        %dma_wait3A_58 = tpu.memref_slice %arg16[%mul3A_2, %dma_wait3A_57] : memref<10000x128xf32, #tpu.memory_space<vmem_shared>> -> memref<624x128xf32, #tpu.memory_space<vmem_shared>>
        tpu.wait_dma2 semaphore(%run_scoped3A_50 : memref<!tpu.dma_semaphore, #tpu.memory_space<semaphore_mem>>) src(%dma_wait3A_58 : memref<624x128xf32, #tpu.memory_space<vmem_shared>>) dst(%dma_wait3A_56 : memref<624x128xf32, #tpu.memory_space<hbm>>)
        tpu.yield
      }) : () -> ()
      %eq3A_45 = arith.constant 15 : i32
      %eq3A_46 = arith.cmpi eq, %arg1, %eq3A_45 : i32
      %convert_element_type3A_47 = arith.extui %eq3A_46 : i1 to i32
      %cond3A_48 = arith.constant 0 : i32
      %cond3A_49 = arith.cmpi ne, %convert_element_type3A_47, %cond3A_48 : i32
      scf.if %cond3A_49 {
        "tpu.region"() ({
          %run_scoped3A_50 = tpu.sem_alloc : memref<!tpu.dma_semaphore, #tpu.memory_space<semaphore_mem>>
          %dma_start3A_51 = arith.constant 9984 : i32
          %dma_start3A_52 = arith.constant 0 : i32
          %dma_start3A_53 = tpu.memref_slice %arg7[%dma_start3A_51, %dma_start3A_52] : memref<10000x128xf32, #tpu.memory_space<hbm>> -> memref<16x128xf32, #tpu.memory_space<hbm>>
          %dma_start3A_54 = arith.constant 9984 : i32
          %dma_start3A_55 = arith.constant 0 : i32
          %dma_start3A_56 = tpu.memref_slice %arg16[%dma_start3A_54, %dma_start3A_55] : memref<10000x128xf32, #tpu.memory_space<vmem_shared>> -> memref<16x128xf32, #tpu.memory_space<vmem_shared>>
          tpu.enqueue_dma source(%dma_start3A_56 : memref<16x128xf32, #tpu.memory_space<vmem_shared>>) target(%dma_start3A_53 : memref<16x128xf32, #tpu.memory_space<hbm>>) target_semaphore(%run_scoped3A_50 : memref<!tpu.dma_semaphore, #tpu.memory_space<semaphore_mem>>)
          %dma_wait3A_57 = arith.constant 9984 : i32
          %dma_wait3A_58 = arith.constant 0 : i32
          %dma_wait3A_59 = tpu.memref_slice %arg7[%dma_wait3A_57, %dma_wait3A_58] : memref<10000x128xf32, #tpu.memory_space<hbm>> -> memref<16x128xf32, #tpu.memory_space<hbm>>
          %dma_wait3A_60 = arith.constant 9984 : i32
          %dma_wait3A_61 = arith.constant 0 : i32
          %dma_wait3A_62 = tpu.memref_slice %arg16[%dma_wait3A_60, %dma_wait3A_61] : memref<10000x128xf32, #tpu.memory_space<vmem_shared>> -> memref<16x128xf32, #tpu.memory_space<vmem_shared>>
          tpu.wait_dma2 semaphore(%run_scoped3A_50 : memref<!tpu.dma_semaphore, #tpu.memory_space<semaphore_mem>>) src(%dma_wait3A_62 : memref<16x128xf32, #tpu.memory_space<vmem_shared>>) dst(%dma_wait3A_59 : memref<16x128xf32, #tpu.memory_space<hbm>>)
          tpu.yield
        }) : () -> ()
      } else {
      }
    } else {
    }
    return
  }
}

#map = affine_map<(d0, d1) -> (0)>
#map1 = affine_map<(d0, d1) -> (0, 0, 0)>
#map2 = affine_map<(d0, d1) -> (0, 0)>
module attributes {stable_mosaic.version = 14 : i64} {
  func.func @_sc_agg_body(%arg0: i32, %arg1: i32, %arg2: memref<320000xi32, #tpu.memory_space<hbm>>, %arg3: memref<32x125x80xi32, #tpu.memory_space<hbm>>, %arg4: memref<10000x128xf32, #tpu.memory_space<hbm>>, %arg5: memref<10000x128xf32, #tpu.memory_space<hbm>>, %arg6: memref<10000x128xf32, #tpu.memory_space<hbm>>, %arg7: memref<10000x128xf32, #tpu.memory_space<hbm>>, %arg8: memref<10000xi32, #tpu.memory_space<vmem>>, %arg9: memref<125x80xi32, #tpu.memory_space<vmem>>, %arg10: memref<80x128xf32, #tpu.memory_space<vmem>>, %arg11: memref<80x128xf32, #tpu.memory_space<vmem>>, %arg12: memref<!tpu.dma_semaphore, #tpu.memory_space<semaphore_mem>>, %arg13: memref<!tpu.dma_semaphore, #tpu.memory_space<semaphore_mem>>, %arg14: memref<!tpu.dma_semaphore, #tpu.memory_space<semaphore_mem>>, %arg15: memref<!tpu.dma_semaphore, #tpu.memory_space<semaphore_mem>>, %arg16: memref<10000x128xf32, #tpu.memory_space<vmem_shared>>) attributes {dimension_semantics = [#tpu.dimension_semantics<core_parallel>, #tpu.dimension_semantics<subcore_parallel>], iteration_bounds = array<i64: 2, 16>, scalar_prefetch = 0 : i64, scratch_operands = 9 : i64, tpu.core_type = #tpu.core_type<sc_vector_subcore>, window_params = [{transform_indices = #map}, {transform_indices = #map1}, {transform_indices = #map2}, {transform_indices = #map2}, {transform_indices = #map2}, {transform_indices = #map2}]} {
    %mul3A = arith.constant 2 : i32
    %mul3A_0 = arith.muli %arg1, %mul3A : i32
    %add3A = arith.addi %mul3A_0, %arg0 : i32
    %mul3A_1 = arith.constant 624 : i32
    %mul3A_2 = arith.muli %arg1, %mul3A_1 : i32
    %eq3A = arith.constant 0 : i32
    %eq3A_3 = arith.cmpi eq, %arg0, %eq3A : i32
    %convert_element_type3A = arith.extui %eq3A_3 : i1 to i32
    %cond3A = arith.constant 0 : i32
    %cond3A_4 = arith.cmpi ne, %convert_element_type3A, %cond3A : i32
    scf.if %cond3A_4 {
      "tpu.region"() ({
        %run_scoped3A_50 = tpu.sem_alloc : memref<!tpu.dma_semaphore, #tpu.memory_space<semaphore_mem>>
        %dma_start3A_51 = arith.constant 0 : i32
        %dma_start3A_52 = tpu.memref_slice %arg16[%mul3A_2, %dma_start3A_51] : memref<10000x128xf32, #tpu.memory_space<vmem_shared>> -> memref<624x128xf32, #tpu.memory_space<vmem_shared>>
        %dma_start3A_53 = arith.constant 0 : i32
        %dma_start3A_54 = tpu.memref_slice %arg4[%mul3A_2, %dma_start3A_53] : memref<10000x128xf32, #tpu.memory_space<hbm>> -> memref<624x128xf32, #tpu.memory_space<hbm>>
        tpu.enqueue_dma source(%dma_start3A_54 : memref<624x128xf32, #tpu.memory_space<hbm>>) target(%dma_start3A_52 : memref<624x128xf32, #tpu.memory_space<vmem_shared>>) target_semaphore(%run_scoped3A_50 : memref<!tpu.dma_semaphore, #tpu.memory_space<semaphore_mem>>)
        %dma_wait3A_55 = arith.constant 0 : i32
        %dma_wait3A_56 = tpu.memref_slice %arg16[%mul3A_2, %dma_wait3A_55] : memref<10000x128xf32, #tpu.memory_space<vmem_shared>> -> memref<624x128xf32, #tpu.memory_space<vmem_shared>>
        %dma_wait3A_57 = arith.constant 0 : i32
        %dma_wait3A_58 = tpu.memref_slice %arg4[%mul3A_2, %dma_wait3A_57] : memref<10000x128xf32, #tpu.memory_space<hbm>> -> memref<624x128xf32, #tpu.memory_space<hbm>>
        tpu.wait_dma2 semaphore(%run_scoped3A_50 : memref<!tpu.dma_semaphore, #tpu.memory_space<semaphore_mem>>) src(%dma_wait3A_58 : memref<624x128xf32, #tpu.memory_space<hbm>>) dst(%dma_wait3A_56 : memref<624x128xf32, #tpu.memory_space<vmem_shared>>)
        tpu.yield
      }) : () -> ()
      %eq3A_45 = arith.constant 15 : i32
      %eq3A_46 = arith.cmpi eq, %arg1, %eq3A_45 : i32
      %convert_element_type3A_47 = arith.extui %eq3A_46 : i1 to i32
      %cond3A_48 = arith.constant 0 : i32
      %cond3A_49 = arith.cmpi ne, %convert_element_type3A_47, %cond3A_48 : i32
      scf.if %cond3A_49 {
        "tpu.region"() ({
          %run_scoped3A_50 = tpu.sem_alloc : memref<!tpu.dma_semaphore, #tpu.memory_space<semaphore_mem>>
          %dma_start3A_51 = arith.constant 9984 : i32
          %dma_start3A_52 = arith.constant 0 : i32
          %dma_start3A_53 = tpu.memref_slice %arg16[%dma_start3A_51, %dma_start3A_52] : memref<10000x128xf32, #tpu.memory_space<vmem_shared>> -> memref<16x128xf32, #tpu.memory_space<vmem_shared>>
          %dma_start3A_54 = arith.constant 9984 : i32
          %dma_start3A_55 = arith.constant 0 : i32
          %dma_start3A_56 = tpu.memref_slice %arg4[%dma_start3A_54, %dma_start3A_55] : memref<10000x128xf32, #tpu.memory_space<hbm>> -> memref<16x128xf32, #tpu.memory_space<hbm>>
          tpu.enqueue_dma source(%dma_start3A_56 : memref<16x128xf32, #tpu.memory_space<hbm>>) target(%dma_start3A_53 : memref<16x128xf32, #tpu.memory_space<vmem_shared>>) target_semaphore(%run_scoped3A_50 : memref<!tpu.dma_semaphore, #tpu.memory_space<semaphore_mem>>)
          %dma_wait3A_57 = arith.constant 9984 : i32
          %dma_wait3A_58 = arith.constant 0 : i32
          %dma_wait3A_59 = tpu.memref_slice %arg16[%dma_wait3A_57, %dma_wait3A_58] : memref<10000x128xf32, #tpu.memory_space<vmem_shared>> -> memref<16x128xf32, #tpu.memory_space<vmem_shared>>
          %dma_wait3A_60 = arith.constant 9984 : i32
          %dma_wait3A_61 = arith.constant 0 : i32
          %dma_wait3A_62 = tpu.memref_slice %arg4[%dma_wait3A_60, %dma_wait3A_61] : memref<10000x128xf32, #tpu.memory_space<hbm>> -> memref<16x128xf32, #tpu.memory_space<hbm>>
          tpu.wait_dma2 semaphore(%run_scoped3A_50 : memref<!tpu.dma_semaphore, #tpu.memory_space<semaphore_mem>>) src(%dma_wait3A_62 : memref<16x128xf32, #tpu.memory_space<hbm>>) dst(%dma_wait3A_59 : memref<16x128xf32, #tpu.memory_space<vmem_shared>>)
          tpu.yield
        }) : () -> ()
      } else {
      }
    } else {
    }
    %eq3A_5 = arith.constant 1 : i32
    %eq3A_6 = arith.cmpi eq, %arg0, %eq3A_5 : i32
    %convert_element_type3A_7 = arith.extui %eq3A_6 : i1 to i32
    %cond3A_8 = arith.constant 0 : i32
    %cond3A_9 = arith.cmpi ne, %convert_element_type3A_7, %cond3A_8 : i32
    scf.if %cond3A_9 {
      "tpu.region"() ({
        %run_scoped3A_50 = tpu.sem_alloc : memref<!tpu.dma_semaphore, #tpu.memory_space<semaphore_mem>>
        %dma_start3A_51 = arith.constant 0 : i32
        %dma_start3A_52 = tpu.memref_slice %arg16[%mul3A_2, %dma_start3A_51] : memref<10000x128xf32, #tpu.memory_space<vmem_shared>> -> memref<624x128xf32, #tpu.memory_space<vmem_shared>>
        %dma_start3A_53 = arith.constant 0 : i32
        %dma_start3A_54 = tpu.memref_slice %arg5[%mul3A_2, %dma_start3A_53] : memref<10000x128xf32, #tpu.memory_space<hbm>> -> memref<624x128xf32, #tpu.memory_space<hbm>>
        tpu.enqueue_dma source(%dma_start3A_54 : memref<624x128xf32, #tpu.memory_space<hbm>>) target(%dma_start3A_52 : memref<624x128xf32, #tpu.memory_space<vmem_shared>>) target_semaphore(%run_scoped3A_50 : memref<!tpu.dma_semaphore, #tpu.memory_space<semaphore_mem>>)
        %dma_wait3A_55 = arith.constant 0 : i32
        %dma_wait3A_56 = tpu.memref_slice %arg16[%mul3A_2, %dma_wait3A_55] : memref<10000x128xf32, #tpu.memory_space<vmem_shared>> -> memref<624x128xf32, #tpu.memory_space<vmem_shared>>
        %dma_wait3A_57 = arith.constant 0 : i32
        %dma_wait3A_58 = tpu.memref_slice %arg5[%mul3A_2, %dma_wait3A_57] : memref<10000x128xf32, #tpu.memory_space<hbm>> -> memref<624x128xf32, #tpu.memory_space<hbm>>
        tpu.wait_dma2 semaphore(%run_scoped3A_50 : memref<!tpu.dma_semaphore, #tpu.memory_space<semaphore_mem>>) src(%dma_wait3A_58 : memref<624x128xf32, #tpu.memory_space<hbm>>) dst(%dma_wait3A_56 : memref<624x128xf32, #tpu.memory_space<vmem_shared>>)
        tpu.yield
      }) : () -> ()
      %eq3A_45 = arith.constant 15 : i32
      %eq3A_46 = arith.cmpi eq, %arg1, %eq3A_45 : i32
      %convert_element_type3A_47 = arith.extui %eq3A_46 : i1 to i32
      %cond3A_48 = arith.constant 0 : i32
      %cond3A_49 = arith.cmpi ne, %convert_element_type3A_47, %cond3A_48 : i32
      scf.if %cond3A_49 {
        "tpu.region"() ({
          %run_scoped3A_50 = tpu.sem_alloc : memref<!tpu.dma_semaphore, #tpu.memory_space<semaphore_mem>>
          %dma_start3A_51 = arith.constant 9984 : i32
          %dma_start3A_52 = arith.constant 0 : i32
          %dma_start3A_53 = tpu.memref_slice %arg16[%dma_start3A_51, %dma_start3A_52] : memref<10000x128xf32, #tpu.memory_space<vmem_shared>> -> memref<16x128xf32, #tpu.memory_space<vmem_shared>>
          %dma_start3A_54 = arith.constant 9984 : i32
          %dma_start3A_55 = arith.constant 0 : i32
          %dma_start3A_56 = tpu.memref_slice %arg5[%dma_start3A_54, %dma_start3A_55] : memref<10000x128xf32, #tpu.memory_space<hbm>> -> memref<16x128xf32, #tpu.memory_space<hbm>>
          tpu.enqueue_dma source(%dma_start3A_56 : memref<16x128xf32, #tpu.memory_space<hbm>>) target(%dma_start3A_53 : memref<16x128xf32, #tpu.memory_space<vmem_shared>>) target_semaphore(%run_scoped3A_50 : memref<!tpu.dma_semaphore, #tpu.memory_space<semaphore_mem>>)
          %dma_wait3A_57 = arith.constant 9984 : i32
          %dma_wait3A_58 = arith.constant 0 : i32
          %dma_wait3A_59 = tpu.memref_slice %arg16[%dma_wait3A_57, %dma_wait3A_58] : memref<10000x128xf32, #tpu.memory_space<vmem_shared>> -> memref<16x128xf32, #tpu.memory_space<vmem_shared>>
          %dma_wait3A_60 = arith.constant 9984 : i32
          %dma_wait3A_61 = arith.constant 0 : i32
          %dma_wait3A_62 = tpu.memref_slice %arg5[%dma_wait3A_60, %dma_wait3A_61] : memref<10000x128xf32, #tpu.memory_space<hbm>> -> memref<16x128xf32, #tpu.memory_space<hbm>>
          tpu.wait_dma2 semaphore(%run_scoped3A_50 : memref<!tpu.dma_semaphore, #tpu.memory_space<semaphore_mem>>) src(%dma_wait3A_62 : memref<16x128xf32, #tpu.memory_space<hbm>>) dst(%dma_wait3A_59 : memref<16x128xf32, #tpu.memory_space<vmem_shared>>)
          tpu.yield
        }) : () -> ()
      } else {
      }
    } else {
    }
    %mul3A_10 = arith.constant 10000 : i32
    %mul3A_11 = arith.muli %add3A, %mul3A_10 : i32
    "tpu.region"() ({
      %run_scoped3A_45 = tpu.sem_alloc : memref<!tpu.dma_semaphore, #tpu.memory_space<semaphore_mem>>
      %dma_start3A_46 = tpu.memref_slice %arg2[%mul3A_11] : memref<320000xi32, #tpu.memory_space<hbm>> -> memref<10000xi32, #tpu.memory_space<hbm>>
      %dma_start3A_47 = tpu.memref_slice %arg2[%mul3A_11] : memref<320000xi32, #tpu.memory_space<hbm>> -> memref<10000xi32, #tpu.memory_space<hbm>>
      tpu.enqueue_dma source(%dma_start3A_47 : memref<10000xi32, #tpu.memory_space<hbm>>) target(%arg8 : memref<10000xi32, #tpu.memory_space<vmem>>) target_semaphore(%run_scoped3A_45 : memref<!tpu.dma_semaphore, #tpu.memory_space<semaphore_mem>>)
      %dma_wait3A_48 = tpu.memref_slice %arg2[%mul3A_11] : memref<320000xi32, #tpu.memory_space<hbm>> -> memref<10000xi32, #tpu.memory_space<hbm>>
      %dma_wait3A_49 = tpu.memref_slice %arg2[%mul3A_11] : memref<320000xi32, #tpu.memory_space<hbm>> -> memref<10000xi32, #tpu.memory_space<hbm>>
      tpu.wait_dma2 semaphore(%run_scoped3A_45 : memref<!tpu.dma_semaphore, #tpu.memory_space<semaphore_mem>>) src(%dma_wait3A_49 : memref<10000xi32, #tpu.memory_space<hbm>>) dst(%arg8 : memref<10000xi32, #tpu.memory_space<vmem>>)
      tpu.yield
    }) : () -> ()
    "tpu.region"() ({
      %run_scoped3A_45 = tpu.sem_alloc : memref<!tpu.dma_semaphore, #tpu.memory_space<semaphore_mem>>
      %dma_start3A_46 = arith.constant 0 : i32
      %dma_start3A_47 = arith.constant 0 : i32
      %dma_start3A_48 = tpu.memref_slice %arg3[%add3A, %dma_start3A_46, %dma_start3A_47] : memref<32x125x80xi32, #tpu.memory_space<hbm>> -> memref<1x125x80xi32, #tpu.memory_space<hbm>>
      %dma_start3A_49 = tpu.memref_squeeze %dma_start3A_48 : memref<1x125x80xi32, #tpu.memory_space<hbm>> -> memref<125x80xi32, #tpu.memory_space<hbm>>
      %dma_start3A_50 = arith.constant 0 : i32
      %dma_start3A_51 = arith.constant 0 : i32
      %dma_start3A_52 = tpu.memref_slice %arg3[%add3A, %dma_start3A_50, %dma_start3A_51] : memref<32x125x80xi32, #tpu.memory_space<hbm>> -> memref<1x125x80xi32, #tpu.memory_space<hbm>>
      %dma_start3A_53 = tpu.memref_squeeze %dma_start3A_52 : memref<1x125x80xi32, #tpu.memory_space<hbm>> -> memref<125x80xi32, #tpu.memory_space<hbm>>
      tpu.enqueue_dma source(%dma_start3A_53 : memref<125x80xi32, #tpu.memory_space<hbm>>) target(%arg9 : memref<125x80xi32, #tpu.memory_space<vmem>>) target_semaphore(%run_scoped3A_45 : memref<!tpu.dma_semaphore, #tpu.memory_space<semaphore_mem>>)
      %dma_wait3A_54 = arith.constant 0 : i32
      %dma_wait3A_55 = arith.constant 0 : i32
      %dma_wait3A_56 = tpu.memref_slice %arg3[%add3A, %dma_wait3A_54, %dma_wait3A_55] : memref<32x125x80xi32, #tpu.memory_space<hbm>> -> memref<1x125x80xi32, #tpu.memory_space<hbm>>
      %dma_wait3A_57 = tpu.memref_squeeze %dma_wait3A_56 : memref<1x125x80xi32, #tpu.memory_space<hbm>> -> memref<125x80xi32, #tpu.memory_space<hbm>>
      %dma_wait3A_58 = arith.constant 0 : i32
      %dma_wait3A_59 = arith.constant 0 : i32
      %dma_wait3A_60 = tpu.memref_slice %arg3[%add3A, %dma_wait3A_58, %dma_wait3A_59] : memref<32x125x80xi32, #tpu.memory_space<hbm>> -> memref<1x125x80xi32, #tpu.memory_space<hbm>>
      %dma_wait3A_61 = tpu.memref_squeeze %dma_wait3A_60 : memref<1x125x80xi32, #tpu.memory_space<hbm>> -> memref<125x80xi32, #tpu.memory_space<hbm>>
      tpu.wait_dma2 semaphore(%run_scoped3A_45 : memref<!tpu.dma_semaphore, #tpu.memory_space<semaphore_mem>>) src(%dma_wait3A_61 : memref<125x80xi32, #tpu.memory_space<hbm>>) dst(%arg9 : memref<125x80xi32, #tpu.memory_space<vmem>>)
      tpu.yield
    }) : () -> ()
    %barrier3A = arith.constant 0 : index
    tpu.barrier barrier_id(%barrier3A)
    "tpu.region"() ({
      %run_scoped3A_45 = tpu.sem_alloc : memref<!tpu.dma_semaphore, #tpu.memory_space<semaphore_mem>>
      %dma_start3A_46 = arith.constant 0 : i32
      %dma_start3A_47 = tpu.memref_slice %arg8[%dma_start3A_46] : memref<10000xi32, #tpu.memory_space<vmem>> -> memref<80xi32, #tpu.memory_space<vmem>>
      %dma_start3A_48 = arith.constant 0 : i32
      %dma_start3A_49 = arith.constant 0 : i32
      %dma_start3A_50 = tpu.memref_slice %arg4[%dma_start3A_48, %dma_start3A_49] : memref<10000x128xf32, #tpu.memory_space<hbm>> -> memref<10000x128xf32, #tpu.memory_space<hbm>>
      tpu.enqueue_indirect_dma source(%dma_start3A_50 : memref<10000x128xf32, #tpu.memory_space<hbm>>) target(%arg10 : memref<80x128xf32, #tpu.memory_space<vmem>>) offsets(%dma_start3A_47 : memref<80xi32, #tpu.memory_space<vmem>>) semaphore(%run_scoped3A_45 : memref<!tpu.dma_semaphore, #tpu.memory_space<semaphore_mem>>)
      %dma_wait3A_51 = arith.constant 0 : i32
      %dma_wait3A_52 = tpu.memref_slice %arg8[%dma_wait3A_51] : memref<10000xi32, #tpu.memory_space<vmem>> -> memref<80xi32, #tpu.memory_space<vmem>>
      %dma_wait3A_53 = arith.constant 0 : i32
      %dma_wait3A_54 = arith.constant 0 : i32
      %dma_wait3A_55 = tpu.memref_slice %arg4[%dma_wait3A_53, %dma_wait3A_54] : memref<10000x128xf32, #tpu.memory_space<hbm>> -> memref<10000x128xf32, #tpu.memory_space<hbm>>
      tpu.wait_indirect_dma semaphore(%run_scoped3A_45 : memref<!tpu.dma_semaphore, #tpu.memory_space<semaphore_mem>>) src(%dma_wait3A_55 : memref<10000x128xf32, #tpu.memory_space<hbm>>) dst(%arg10 : memref<80x128xf32, #tpu.memory_space<vmem>>)
      tpu.yield
    }) : () -> ()
    %run_scoped3A = arith.constant 0 : i32
    "tpu.region"() ({
      %run_scoped3A_45 = tpu.sem_alloc : memref<!tpu.dma_semaphore, #tpu.memory_space<semaphore_mem>>
      %dma_start3A_46 = arith.constant 0 : i32
      %dma_start3A_47 = tpu.memref_slice %arg9[%run_scoped3A, %dma_start3A_46] : memref<125x80xi32, #tpu.memory_space<vmem>> -> memref<1x80xi32, #tpu.memory_space<vmem>>
      %dma_start3A_48 = tpu.memref_squeeze %dma_start3A_47 : memref<1x80xi32, #tpu.memory_space<vmem>> -> memref<80xi32, #tpu.memory_space<vmem>>
      %dma_start3A_49 = arith.constant 0 : i32
      %dma_start3A_50 = arith.constant 0 : i32
      %dma_start3A_51 = tpu.memref_slice %arg16[%dma_start3A_49, %dma_start3A_50] : memref<10000x128xf32, #tpu.memory_space<vmem_shared>> -> memref<10000x128xf32, #tpu.memory_space<vmem_shared>>
      tpu.enqueue_indirect_dma source(%arg10 : memref<80x128xf32, #tpu.memory_space<vmem>>) target(%dma_start3A_51 : memref<10000x128xf32, #tpu.memory_space<vmem_shared>>) offsets(%dma_start3A_48 : memref<80xi32, #tpu.memory_space<vmem>>) semaphore(%run_scoped3A_45 : memref<!tpu.dma_semaphore, #tpu.memory_space<semaphore_mem>>) {add = true}
      %dma_wait3A_52 = arith.constant 0 : i32
      %dma_wait3A_53 = tpu.memref_slice %arg9[%run_scoped3A, %dma_wait3A_52] : memref<125x80xi32, #tpu.memory_space<vmem>> -> memref<1x80xi32, #tpu.memory_space<vmem>>
      %dma_wait3A_54 = tpu.memref_squeeze %dma_wait3A_53 : memref<1x80xi32, #tpu.memory_space<vmem>> -> memref<80xi32, #tpu.memory_space<vmem>>
      %dma_wait3A_55 = arith.constant 0 : i32
      %dma_wait3A_56 = arith.constant 0 : i32
      %dma_wait3A_57 = tpu.memref_slice %arg16[%dma_wait3A_55, %dma_wait3A_56] : memref<10000x128xf32, #tpu.memory_space<vmem_shared>> -> memref<10000x128xf32, #tpu.memory_space<vmem_shared>>
      tpu.wait_indirect_dma semaphore(%run_scoped3A_45 : memref<!tpu.dma_semaphore, #tpu.memory_space<semaphore_mem>>) src(%arg10 : memref<80x128xf32, #tpu.memory_space<vmem>>) dst(%dma_wait3A_57 : memref<10000x128xf32, #tpu.memory_space<vmem_shared>>)
      tpu.yield
    }) : () -> ()
    %dma_start3A = arith.constant 80 : i32
    %dma_start3A_12 = tpu.memref_slice %arg8[%dma_start3A] : memref<10000xi32, #tpu.memory_space<vmem>> -> memref<80xi32, #tpu.memory_space<vmem>>
    %dma_start3A_13 = arith.constant 0 : i32
    %dma_start3A_14 = arith.constant 0 : i32
    %dma_start3A_15 = tpu.memref_slice %arg4[%dma_start3A_13, %dma_start3A_14] : memref<10000x128xf32, #tpu.memory_space<hbm>> -> memref<10000x128xf32, #tpu.memory_space<hbm>>
    tpu.enqueue_indirect_dma source(%dma_start3A_15 : memref<10000x128xf32, #tpu.memory_space<hbm>>) target(%arg10 : memref<80x128xf32, #tpu.memory_space<vmem>>) offsets(%dma_start3A_12 : memref<80xi32, #tpu.memory_space<vmem>>) semaphore(%arg12 : memref<!tpu.dma_semaphore, #tpu.memory_space<semaphore_mem>>)
    %scan3A = arith.constant 0 : i32
    %scan3A_16 = arith.constant 0 : i32
    %scan3A_17 = arith.constant 62 : i32
    %scan3A_18 = arith.addi %scan3A_16, %scan3A_17 : i32
    %scan3A_19 = arith.constant 1 : i32
    scf.for %scan3A_45 = %scan3A_16 to %scan3A_18 step %scan3A_19  : i32 {
      %mul3A_46 = arith.constant 2 : i32
      %mul3A_47 = arith.muli %mul3A_46, %scan3A_45 : i32
      %add3A_48 = arith.constant 1 : i32
      %add3A_49 = arith.addi %mul3A_47, %add3A_48 : i32
      %add3A_50 = arith.constant 1 : i32
      %add3A_51 = arith.addi %add3A_49, %add3A_50 : i32
      %gt3A = arith.constant 0 : i32
      %gt3A_52 = arith.cmpi sgt, %scan3A_45, %gt3A : i32
      %convert_element_type3A_53 = arith.extui %gt3A_52 : i1 to i32
      %cond3A_54 = arith.constant 0 : i32
      %cond3A_55 = arith.cmpi ne, %convert_element_type3A_53, %cond3A_54 : i32
      scf.if %cond3A_55 {
        %sub3A = arith.constant 2 : i32
        %sub3A_92 = arith.subi %add3A_51, %sub3A : i32
        %dma_wait3A_93 = arith.constant 0 : i32
        %dma_wait3A_94 = tpu.memref_slice %arg9[%sub3A_92, %dma_wait3A_93] : memref<125x80xi32, #tpu.memory_space<vmem>> -> memref<1x80xi32, #tpu.memory_space<vmem>>
        %dma_wait3A_95 = tpu.memref_squeeze %dma_wait3A_94 : memref<1x80xi32, #tpu.memory_space<vmem>> -> memref<80xi32, #tpu.memory_space<vmem>>
        %dma_wait3A_96 = arith.constant 0 : i32
        %dma_wait3A_97 = arith.constant 0 : i32
        %dma_wait3A_98 = tpu.memref_slice %arg16[%dma_wait3A_96, %dma_wait3A_97] : memref<10000x128xf32, #tpu.memory_space<vmem_shared>> -> memref<10000x128xf32, #tpu.memory_space<vmem_shared>>
        tpu.wait_indirect_dma semaphore(%arg15 : memref<!tpu.dma_semaphore, #tpu.memory_space<semaphore_mem>>) src(%arg11 : memref<80x128xf32, #tpu.memory_space<vmem>>) dst(%dma_wait3A_98 : memref<10000x128xf32, #tpu.memory_space<vmem_shared>>)
      } else {
      }
      %mul3A_56 = arith.constant 80 : i32
      %mul3A_57 = arith.muli %add3A_51, %mul3A_56 : i32
      %dma_start3A_58 = tpu.memref_slice %arg8[%mul3A_57] : memref<10000xi32, #tpu.memory_space<vmem>> -> memref<80xi32, #tpu.memory_space<vmem>>
      %dma_start3A_59 = arith.constant 0 : i32
      %dma_start3A_60 = arith.constant 0 : i32
      %dma_start3A_61 = tpu.memref_slice %arg4[%dma_start3A_59, %dma_start3A_60] : memref<10000x128xf32, #tpu.memory_space<hbm>> -> memref<10000x128xf32, #tpu.memory_space<hbm>>
      tpu.enqueue_indirect_dma source(%dma_start3A_61 : memref<10000x128xf32, #tpu.memory_space<hbm>>) target(%arg11 : memref<80x128xf32, #tpu.memory_space<vmem>>) offsets(%dma_start3A_58 : memref<80xi32, #tpu.memory_space<vmem>>) semaphore(%arg13 : memref<!tpu.dma_semaphore, #tpu.memory_space<semaphore_mem>>)
      %mul3A_62 = arith.constant 80 : i32
      %mul3A_63 = arith.muli %add3A_49, %mul3A_62 : i32
      %dma_wait3A_64 = tpu.memref_slice %arg8[%mul3A_63] : memref<10000xi32, #tpu.memory_space<vmem>> -> memref<80xi32, #tpu.memory_space<vmem>>
      %dma_wait3A_65 = arith.constant 0 : i32
      %dma_wait3A_66 = arith.constant 0 : i32
      %dma_wait3A_67 = tpu.memref_slice %arg4[%dma_wait3A_65, %dma_wait3A_66] : memref<10000x128xf32, #tpu.memory_space<hbm>> -> memref<10000x128xf32, #tpu.memory_space<hbm>>
      tpu.wait_indirect_dma semaphore(%arg12 : memref<!tpu.dma_semaphore, #tpu.memory_space<semaphore_mem>>) src(%dma_wait3A_67 : memref<10000x128xf32, #tpu.memory_space<hbm>>) dst(%arg10 : memref<80x128xf32, #tpu.memory_space<vmem>>)
      %dma_start3A_68 = arith.constant 0 : i32
      %dma_start3A_69 = tpu.memref_slice %arg9[%add3A_49, %dma_start3A_68] : memref<125x80xi32, #tpu.memory_space<vmem>> -> memref<1x80xi32, #tpu.memory_space<vmem>>
      %dma_start3A_70 = tpu.memref_squeeze %dma_start3A_69 : memref<1x80xi32, #tpu.memory_space<vmem>> -> memref<80xi32, #tpu.memory_space<vmem>>
      %dma_start3A_71 = arith.constant 0 : i32
      %dma_start3A_72 = arith.constant 0 : i32
      %dma_start3A_73 = tpu.memref_slice %arg16[%dma_start3A_71, %dma_start3A_72] : memref<10000x128xf32, #tpu.memory_space<vmem_shared>> -> memref<10000x128xf32, #tpu.memory_space<vmem_shared>>
      tpu.enqueue_indirect_dma source(%arg10 : memref<80x128xf32, #tpu.memory_space<vmem>>) target(%dma_start3A_73 : memref<10000x128xf32, #tpu.memory_space<vmem_shared>>) offsets(%dma_start3A_70 : memref<80xi32, #tpu.memory_space<vmem>>) semaphore(%arg14 : memref<!tpu.dma_semaphore, #tpu.memory_space<semaphore_mem>>) {add = true}
      %add3A_74 = arith.constant 1 : i32
      %add3A_75 = arith.addi %add3A_51, %add3A_74 : i32
      %lt3A = arith.constant 125 : i32
      %lt3A_76 = arith.cmpi slt, %add3A_75, %lt3A : i32
      %convert_element_type3A_77 = arith.extui %lt3A_76 : i1 to i32
      %cond3A_78 = arith.constant 0 : i32
      %cond3A_79 = arith.cmpi ne, %convert_element_type3A_77, %cond3A_78 : i32
      scf.if %cond3A_79 {
        %dma_wait3A_92 = arith.constant 0 : i32
        %dma_wait3A_93 = tpu.memref_slice %arg9[%add3A_49, %dma_wait3A_92] : memref<125x80xi32, #tpu.memory_space<vmem>> -> memref<1x80xi32, #tpu.memory_space<vmem>>
        %dma_wait3A_94 = tpu.memref_squeeze %dma_wait3A_93 : memref<1x80xi32, #tpu.memory_space<vmem>> -> memref<80xi32, #tpu.memory_space<vmem>>
        %dma_wait3A_95 = arith.constant 0 : i32
        %dma_wait3A_96 = arith.constant 0 : i32
        %dma_wait3A_97 = tpu.memref_slice %arg16[%dma_wait3A_95, %dma_wait3A_96] : memref<10000x128xf32, #tpu.memory_space<vmem_shared>> -> memref<10000x128xf32, #tpu.memory_space<vmem_shared>>
        tpu.wait_indirect_dma semaphore(%arg14 : memref<!tpu.dma_semaphore, #tpu.memory_space<semaphore_mem>>) src(%arg10 : memref<80x128xf32, #tpu.memory_space<vmem>>) dst(%dma_wait3A_97 : memref<10000x128xf32, #tpu.memory_space<vmem_shared>>)
        %add3A_98 = arith.constant 1 : i32
        %add3A_99 = arith.addi %add3A_51, %add3A_98 : i32
        %mul3A_100 = arith.constant 80 : i32
        %mul3A_101 = arith.muli %add3A_99, %mul3A_100 : i32
        %dma_start3A_102 = tpu.memref_slice %arg8[%mul3A_101] : memref<10000xi32, #tpu.memory_space<vmem>> -> memref<80xi32, #tpu.memory_space<vmem>>
        %dma_start3A_103 = arith.constant 0 : i32
        %dma_start3A_104 = arith.constant 0 : i32
        %dma_start3A_105 = tpu.memref_slice %arg4[%dma_start3A_103, %dma_start3A_104] : memref<10000x128xf32, #tpu.memory_space<hbm>> -> memref<10000x128xf32, #tpu.memory_space<hbm>>
        tpu.enqueue_indirect_dma source(%dma_start3A_105 : memref<10000x128xf32, #tpu.memory_space<hbm>>) target(%arg10 : memref<80x128xf32, #tpu.memory_space<vmem>>) offsets(%dma_start3A_102 : memref<80xi32, #tpu.memory_space<vmem>>) semaphore(%arg12 : memref<!tpu.dma_semaphore, #tpu.memory_space<semaphore_mem>>)
      } else {
      }
      %mul3A_80 = arith.constant 80 : i32
      %mul3A_81 = arith.muli %add3A_51, %mul3A_80 : i32
      %dma_wait3A_82 = tpu.memref_slice %arg8[%mul3A_81] : memref<10000xi32, #tpu.memory_space<vmem>> -> memref<80xi32, #tpu.memory_space<vmem>>
      %dma_wait3A_83 = arith.constant 0 : i32
      %dma_wait3A_84 = arith.constant 0 : i32
      %dma_wait3A_85 = tpu.memref_slice %arg4[%dma_wait3A_83, %dma_wait3A_84] : memref<10000x128xf32, #tpu.memory_space<hbm>> -> memref<10000x128xf32, #tpu.memory_space<hbm>>
      tpu.wait_indirect_dma semaphore(%arg13 : memref<!tpu.dma_semaphore, #tpu.memory_space<semaphore_mem>>) src(%dma_wait3A_85 : memref<10000x128xf32, #tpu.memory_space<hbm>>) dst(%arg11 : memref<80x128xf32, #tpu.memory_space<vmem>>)
      %dma_start3A_86 = arith.constant 0 : i32
      %dma_start3A_87 = tpu.memref_slice %arg9[%add3A_51, %dma_start3A_86] : memref<125x80xi32, #tpu.memory_space<vmem>> -> memref<1x80xi32, #tpu.memory_space<vmem>>
      %dma_start3A_88 = tpu.memref_squeeze %dma_start3A_87 : memref<1x80xi32, #tpu.memory_space<vmem>> -> memref<80xi32, #tpu.memory_space<vmem>>
      %dma_start3A_89 = arith.constant 0 : i32
      %dma_start3A_90 = arith.constant 0 : i32
      %dma_start3A_91 = tpu.memref_slice %arg16[%dma_start3A_89, %dma_start3A_90] : memref<10000x128xf32, #tpu.memory_space<vmem_shared>> -> memref<10000x128xf32, #tpu.memory_space<vmem_shared>>
      tpu.enqueue_indirect_dma source(%arg11 : memref<80x128xf32, #tpu.memory_space<vmem>>) target(%dma_start3A_91 : memref<10000x128xf32, #tpu.memory_space<vmem_shared>>) offsets(%dma_start3A_88 : memref<80xi32, #tpu.memory_space<vmem>>) semaphore(%arg15 : memref<!tpu.dma_semaphore, #tpu.memory_space<semaphore_mem>>) {add = true}
    }
    %scan3A_20 = arith.constant 62 : i32
    %dma_wait3A = arith.constant 123 : i32
    %dma_wait3A_21 = arith.constant 0 : i32
    %dma_wait3A_22 = tpu.memref_slice %arg9[%dma_wait3A, %dma_wait3A_21] : memref<125x80xi32, #tpu.memory_space<vmem>> -> memref<1x80xi32, #tpu.memory_space<vmem>>
    %dma_wait3A_23 = tpu.memref_squeeze %dma_wait3A_22 : memref<1x80xi32, #tpu.memory_space<vmem>> -> memref<80xi32, #tpu.memory_space<vmem>>
    %dma_wait3A_24 = arith.constant 0 : i32
    %dma_wait3A_25 = arith.constant 0 : i32
    %dma_wait3A_26 = tpu.memref_slice %arg16[%dma_wait3A_24, %dma_wait3A_25] : memref<10000x128xf32, #tpu.memory_space<vmem_shared>> -> memref<10000x128xf32, #tpu.memory_space<vmem_shared>>
    tpu.wait_indirect_dma semaphore(%arg14 : memref<!tpu.dma_semaphore, #tpu.memory_space<semaphore_mem>>) src(%arg10 : memref<80x128xf32, #tpu.memory_space<vmem>>) dst(%dma_wait3A_26 : memref<10000x128xf32, #tpu.memory_space<vmem_shared>>)
    %dma_wait3A_27 = arith.constant 124 : i32
    %dma_wait3A_28 = arith.constant 0 : i32
    %dma_wait3A_29 = tpu.memref_slice %arg9[%dma_wait3A_27, %dma_wait3A_28] : memref<125x80xi32, #tpu.memory_space<vmem>> -> memref<1x80xi32, #tpu.memory_space<vmem>>
    %dma_wait3A_30 = tpu.memref_squeeze %dma_wait3A_29 : memref<1x80xi32, #tpu.memory_space<vmem>> -> memref<80xi32, #tpu.memory_space<vmem>>
    %dma_wait3A_31 = arith.constant 0 : i32
    %dma_wait3A_32 = arith.constant 0 : i32
    %dma_wait3A_33 = tpu.memref_slice %arg16[%dma_wait3A_31, %dma_wait3A_32] : memref<10000x128xf32, #tpu.memory_space<vmem_shared>> -> memref<10000x128xf32, #tpu.memory_space<vmem_shared>>
    tpu.wait_indirect_dma semaphore(%arg15 : memref<!tpu.dma_semaphore, #tpu.memory_space<semaphore_mem>>) src(%arg11 : memref<80x128xf32, #tpu.memory_space<vmem>>) dst(%dma_wait3A_33 : memref<10000x128xf32, #tpu.memory_space<vmem_shared>>)
    %barrier3A_34 = arith.constant 0 : index
    tpu.barrier barrier_id(%barrier3A_34)
    %eq3A_35 = arith.constant 0 : i32
    %eq3A_36 = arith.cmpi eq, %arg0, %eq3A_35 : i32
    %convert_element_type3A_37 = arith.extui %eq3A_36 : i1 to i32
    %cond3A_38 = arith.constant 0 : i32
    %cond3A_39 = arith.cmpi ne, %convert_element_type3A_37, %cond3A_38 : i32
    scf.if %cond3A_39 {
      "tpu.region"() ({
        %run_scoped3A_50 = tpu.sem_alloc : memref<!tpu.dma_semaphore, #tpu.memory_space<semaphore_mem>>
        %dma_start3A_51 = arith.constant 0 : i32
        %dma_start3A_52 = tpu.memref_slice %arg6[%mul3A_2, %dma_start3A_51] : memref<10000x128xf32, #tpu.memory_space<hbm>> -> memref<624x128xf32, #tpu.memory_space<hbm>>
        %dma_start3A_53 = arith.constant 0 : i32
        %dma_start3A_54 = tpu.memref_slice %arg16[%mul3A_2, %dma_start3A_53] : memref<10000x128xf32, #tpu.memory_space<vmem_shared>> -> memref<624x128xf32, #tpu.memory_space<vmem_shared>>
        tpu.enqueue_dma source(%dma_start3A_54 : memref<624x128xf32, #tpu.memory_space<vmem_shared>>) target(%dma_start3A_52 : memref<624x128xf32, #tpu.memory_space<hbm>>) target_semaphore(%run_scoped3A_50 : memref<!tpu.dma_semaphore, #tpu.memory_space<semaphore_mem>>)
        %dma_wait3A_55 = arith.constant 0 : i32
        %dma_wait3A_56 = tpu.memref_slice %arg6[%mul3A_2, %dma_wait3A_55] : memref<10000x128xf32, #tpu.memory_space<hbm>> -> memref<624x128xf32, #tpu.memory_space<hbm>>
        %dma_wait3A_57 = arith.constant 0 : i32
        %dma_wait3A_58 = tpu.memref_slice %arg16[%mul3A_2, %dma_wait3A_57] : memref<10000x128xf32, #tpu.memory_space<vmem_shared>> -> memref<624x128xf32, #tpu.memory_space<vmem_shared>>
        tpu.wait_dma2 semaphore(%run_scoped3A_50 : memref<!tpu.dma_semaphore, #tpu.memory_space<semaphore_mem>>) src(%dma_wait3A_58 : memref<624x128xf32, #tpu.memory_space<vmem_shared>>) dst(%dma_wait3A_56 : memref<624x128xf32, #tpu.memory_space<hbm>>)
        tpu.yield
      }) : () -> ()
      %eq3A_45 = arith.constant 15 : i32
      %eq3A_46 = arith.cmpi eq, %arg1, %eq3A_45 : i32
      %convert_element_type3A_47 = arith.extui %eq3A_46 : i1 to i32
      %cond3A_48 = arith.constant 0 : i32
      %cond3A_49 = arith.cmpi ne, %convert_element_type3A_47, %cond3A_48 : i32
      scf.if %cond3A_49 {
        "tpu.region"() ({
          %run_scoped3A_50 = tpu.sem_alloc : memref<!tpu.dma_semaphore, #tpu.memory_space<semaphore_mem>>
          %dma_start3A_51 = arith.constant 9984 : i32
          %dma_start3A_52 = arith.constant 0 : i32
          %dma_start3A_53 = tpu.memref_slice %arg6[%dma_start3A_51, %dma_start3A_52] : memref<10000x128xf32, #tpu.memory_space<hbm>> -> memref<16x128xf32, #tpu.memory_space<hbm>>
          %dma_start3A_54 = arith.constant 9984 : i32
          %dma_start3A_55 = arith.constant 0 : i32
          %dma_start3A_56 = tpu.memref_slice %arg16[%dma_start3A_54, %dma_start3A_55] : memref<10000x128xf32, #tpu.memory_space<vmem_shared>> -> memref<16x128xf32, #tpu.memory_space<vmem_shared>>
          tpu.enqueue_dma source(%dma_start3A_56 : memref<16x128xf32, #tpu.memory_space<vmem_shared>>) target(%dma_start3A_53 : memref<16x128xf32, #tpu.memory_space<hbm>>) target_semaphore(%run_scoped3A_50 : memref<!tpu.dma_semaphore, #tpu.memory_space<semaphore_mem>>)
          %dma_wait3A_57 = arith.constant 9984 : i32
          %dma_wait3A_58 = arith.constant 0 : i32
          %dma_wait3A_59 = tpu.memref_slice %arg6[%dma_wait3A_57, %dma_wait3A_58] : memref<10000x128xf32, #tpu.memory_space<hbm>> -> memref<16x128xf32, #tpu.memory_space<hbm>>
          %dma_wait3A_60 = arith.constant 9984 : i32
          %dma_wait3A_61 = arith.constant 0 : i32
          %dma_wait3A_62 = tpu.memref_slice %arg16[%dma_wait3A_60, %dma_wait3A_61] : memref<10000x128xf32, #tpu.memory_space<vmem_shared>> -> memref<16x128xf32, #tpu.memory_space<vmem_shared>>
          tpu.wait_dma2 semaphore(%run_scoped3A_50 : memref<!tpu.dma_semaphore, #tpu.memory_space<semaphore_mem>>) src(%dma_wait3A_62 : memref<16x128xf32, #tpu.memory_space<vmem_shared>>) dst(%dma_wait3A_59 : memref<16x128xf32, #tpu.memory_space<hbm>>)
          tpu.yield
        }) : () -> ()
      } else {
      }
    } else {
    }
    %eq3A_40 = arith.constant 1 : i32
    %eq3A_41 = arith.cmpi eq, %arg0, %eq3A_40 : i32
    %convert_element_type3A_42 = arith.extui %eq3A_41 : i1 to i32
    %cond3A_43 = arith.constant 0 : i32
    %cond3A_44 = arith.cmpi ne, %convert_element_type3A_42, %cond3A_43 : i32
    scf.if %cond3A_44 {
      "tpu.region"() ({
        %run_scoped3A_50 = tpu.sem_alloc : memref<!tpu.dma_semaphore, #tpu.memory_space<semaphore_mem>>
        %dma_start3A_51 = arith.constant 0 : i32
        %dma_start3A_52 = tpu.memref_slice %arg7[%mul3A_2, %dma_start3A_51] : memref<10000x128xf32, #tpu.memory_space<hbm>> -> memref<624x128xf32, #tpu.memory_space<hbm>>
        %dma_start3A_53 = arith.constant 0 : i32
        %dma_start3A_54 = tpu.memref_slice %arg16[%mul3A_2, %dma_start3A_53] : memref<10000x128xf32, #tpu.memory_space<vmem_shared>> -> memref<624x128xf32, #tpu.memory_space<vmem_shared>>
        tpu.enqueue_dma source(%dma_start3A_54 : memref<624x128xf32, #tpu.memory_space<vmem_shared>>) target(%dma_start3A_52 : memref<624x128xf32, #tpu.memory_space<hbm>>) target_semaphore(%run_scoped3A_50 : memref<!tpu.dma_semaphore, #tpu.memory_space<semaphore_mem>>)
        %dma_wait3A_55 = arith.constant 0 : i32
        %dma_wait3A_56 = tpu.memref_slice %arg7[%mul3A_2, %dma_wait3A_55] : memref<10000x128xf32, #tpu.memory_space<hbm>> -> memref<624x128xf32, #tpu.memory_space<hbm>>
        %dma_wait3A_57 = arith.constant 0 : i32
        %dma_wait3A_58 = tpu.memref_slice %arg16[%mul3A_2, %dma_wait3A_57] : memref<10000x128xf32, #tpu.memory_space<vmem_shared>> -> memref<624x128xf32, #tpu.memory_space<vmem_shared>>
        tpu.wait_dma2 semaphore(%run_scoped3A_50 : memref<!tpu.dma_semaphore, #tpu.memory_space<semaphore_mem>>) src(%dma_wait3A_58 : memref<624x128xf32, #tpu.memory_space<vmem_shared>>) dst(%dma_wait3A_56 : memref<624x128xf32, #tpu.memory_space<hbm>>)
        tpu.yield
      }) : () -> ()
      %eq3A_45 = arith.constant 15 : i32
      %eq3A_46 = arith.cmpi eq, %arg1, %eq3A_45 : i32
      %convert_element_type3A_47 = arith.extui %eq3A_46 : i1 to i32
      %cond3A_48 = arith.constant 0 : i32
      %cond3A_49 = arith.cmpi ne, %convert_element_type3A_47, %cond3A_48 : i32
      scf.if %cond3A_49 {
        "tpu.region"() ({
          %run_scoped3A_50 = tpu.sem_alloc : memref<!tpu.dma_semaphore, #tpu.memory_space<semaphore_mem>>
          %dma_start3A_51 = arith.constant 9984 : i32
          %dma_start3A_52 = arith.constant 0 : i32
          %dma_start3A_53 = tpu.memref_slice %arg7[%dma_start3A_51, %dma_start3A_52] : memref<10000x128xf32, #tpu.memory_space<hbm>> -> memref<16x128xf32, #tpu.memory_space<hbm>>
          %dma_start3A_54 = arith.constant 9984 : i32
          %dma_start3A_55 = arith.constant 0 : i32
          %dma_start3A_56 = tpu.memref_slice %arg16[%dma_start3A_54, %dma_start3A_55] : memref<10000x128xf32, #tpu.memory_space<vmem_shared>> -> memref<16x128xf32, #tpu.memory_space<vmem_shared>>
          tpu.enqueue_dma source(%dma_start3A_56 : memref<16x128xf32, #tpu.memory_space<vmem_shared>>) target(%dma_start3A_53 : memref<16x128xf32, #tpu.memory_space<hbm>>) target_semaphore(%run_scoped3A_50 : memref<!tpu.dma_semaphore, #tpu.memory_space<semaphore_mem>>)
          %dma_wait3A_57 = arith.constant 9984 : i32
          %dma_wait3A_58 = arith.constant 0 : i32
          %dma_wait3A_59 = tpu.memref_slice %arg7[%dma_wait3A_57, %dma_wait3A_58] : memref<10000x128xf32, #tpu.memory_space<hbm>> -> memref<16x128xf32, #tpu.memory_space<hbm>>
          %dma_wait3A_60 = arith.constant 9984 : i32
          %dma_wait3A_61 = arith.constant 0 : i32
          %dma_wait3A_62 = tpu.memref_slice %arg16[%dma_wait3A_60, %dma_wait3A_61] : memref<10000x128xf32, #tpu.memory_space<vmem_shared>> -> memref<16x128xf32, #tpu.memory_space<vmem_shared>>
          tpu.wait_dma2 semaphore(%run_scoped3A_50 : memref<!tpu.dma_semaphore, #tpu.memory_space<semaphore_mem>>) src(%dma_wait3A_62 : memref<16x128xf32, #tpu.memory_space<vmem_shared>>) dst(%dma_wait3A_59 : memref<16x128xf32, #tpu.memory_space<hbm>>)
          tpu.yield
        }) : () -> ()
      } else {
      }
    } else {
    }
    return
  }
}

module attributes {stable_mosaic.version = 14 : i64} {
  func.func @_tc_pre_body(%arg0: memref<32x625x128xf32, #tpu.memory_space<vmem>>, %arg1: memref<10000x128xf32, #tpu.memory_space<vmem>>, %arg2: memref<128x128xf32, #tpu.memory_space<vmem>>, %arg3: memref<10000x128xf32, #tpu.memory_space<vmem>>, %arg4: memref<10000x16xf32, #tpu.memory_space<vmem>>) attributes {dimension_semantics = [], scalar_prefetch = 0 : i64, scratch_operands = 0 : i64, tpu.core_type = #tpu.core_type<tc>} {
    %get3A = arith.constant 0 : index
    %get3A_0 = arith.constant 0 : index
    %get3A_1 = arith.constant 0 : index
    %get3A_2 = vector.load %arg0[%get3A, %get3A_0, %get3A_1] : memref<32x625x128xf32, #tpu.memory_space<vmem>>, vector<32x625x128xf32>
    %reduce_sum3A = arith.constant dense<0.000000e+00> : vector<625x128xf32>
    %reduce_sum3A_3 = vector.multi_reduction <add>, %get3A_2, %reduce_sum3A [0] : vector<32x625x128xf32> to vector<625x128xf32>
    %reshape3A = vector.shape_cast %reduce_sum3A_3 : vector<625x128xf32> to vector<625x16x8xf32>
    %reduce_sum3A_4 = arith.constant dense<0.000000e+00> : vector<625x16xf32>
    %reduce_sum3A_5 = vector.multi_reduction <add>, %reshape3A, %reduce_sum3A_4 [2] : vector<625x16x8xf32> to vector<625x16xf32>
    %reshape3A_6 = vector.shape_cast %reduce_sum3A_5 : vector<625x16xf32> to vector<10000x1xf32>
    %add3A = arith.constant 1.000000e+00 : f32
    %add3A_7 = vector.broadcast %add3A : f32 to vector<10000x1xf32>
    %add3A_8 = arith.addf %reshape3A_6, %add3A_7 : vector<10000x1xf32>
    %max3A = arith.constant 1.000000e+00 : f32
    %max3A_9 = vector.broadcast %max3A : f32 to vector<10000x1xf32>
    %max3A_10 = arith.maximumf %add3A_8, %max3A_9 : vector<10000x1xf32>
    %rsqrt3A = math.rsqrt %max3A_10 : vector<10000x1xf32>
    %get3A_11 = arith.constant 0 : index
    %get3A_12 = arith.constant 0 : index
    %get3A_13 = vector.load %arg1[%get3A_11, %get3A_12] : memref<10000x128xf32, #tpu.memory_space<vmem>>, vector<10000x128xf32>
    %get3A_14 = arith.constant 0 : index
    %get3A_15 = arith.constant 0 : index
    %get3A_16 = vector.load %arg2[%get3A_14, %get3A_15] : memref<128x128xf32, #tpu.memory_space<vmem>>, vector<128x128xf32>
    %dot_general3A = arith.constant dense<0.000000e+00> : vector<10000x128xf32>
    %dot_general3A_17 = tpu.matmul %get3A_13, %get3A_16, %dot_general3A {dimension_numbers = #tpu.dot_dimension_numbers<[1], [0], [0], [1], [0, 0, 1, 1], [], []>, transpose_lhs_hint = false} : vector<10000x128xf32>, vector<128x128xf32>, vector<10000x128xf32> -> vector<10000x128xf32>
    %mul3A = vector.broadcast %rsqrt3A : vector<10000x1xf32> to vector<10000x128xf32>
    %mul3A_18 = arith.mulf %dot_general3A_17, %mul3A : vector<10000x128xf32>
    %swap3A = arith.constant 0 : index
    %swap3A_19 = arith.constant 0 : index
    %swap3A_20 = vector.load %arg3[%swap3A, %swap3A_19] : memref<10000x128xf32, #tpu.memory_space<vmem>>, vector<10000x128xf32>
    tpu.vector_store %arg3[%swap3A, %swap3A_19], %mul3A_18 {strides = array<i32>} : memref<10000x128xf32, #tpu.memory_space<vmem>>, vector<10000x128xf32>,
    %broadcast_in_dim3A = vector.shape_cast %rsqrt3A : vector<10000x1xf32> to vector<10000x1xf32>
    %broadcast_in_dim3A_21 = vector.broadcast %broadcast_in_dim3A : vector<10000x1xf32> to vector<10000x16xf32>
    %swap3A_22 = arith.constant 0 : index
    %swap3A_23 = arith.constant 0 : index
    %swap3A_24 = vector.load %arg4[%swap3A_22, %swap3A_23] : memref<10000x16xf32, #tpu.memory_space<vmem>>, vector<10000x16xf32>
    tpu.vector_store %arg4[%swap3A_22, %swap3A_23], %broadcast_in_dim3A_21 {strides = array<i32>} : memref<10000x16xf32, #tpu.memory_space<vmem>>, vector<10000x16xf32>,
    return
  }
}

module attributes {stable_mosaic.version = 14 : i64} {
  func.func @_tc_mid_body(%arg0: i32, %arg1: memref<1000x128xf32, #tpu.memory_space<vmem>>, %arg2: memref<1000x128xf32, #tpu.memory_space<vmem>>, %arg3: memref<1000x16xf32, #tpu.memory_space<vmem>>, %arg4: memref<1x128xf32, #tpu.memory_space<vmem>>, %arg5: memref<128x128xf32, #tpu.memory_space<vmem>>, %arg6: memref<1000x128xf32, #tpu.memory_space<vmem>>) attributes {dimension_semantics = [#tpu.dimension_semantics<arbitrary>], iteration_bounds = array<i64: 10>, scalar_prefetch = 0 : i64, scratch_operands = 0 : i64, tpu.core_type = #tpu.core_type<tc>, window_params = [{transform_indices = @transform_0, window_bounds = array<i64: 1000, 128>}, {transform_indices = @transform_1, window_bounds = array<i64: 1000, 128>}, {transform_indices = @transform_2, window_bounds = array<i64: 1000, 16>}, {pipeline_mode = #tpu.pipeline_mode<synchronous>, transform_indices = @transform_3, window_bounds = array<i64: 1, 128>}, {pipeline_mode = #tpu.pipeline_mode<synchronous>, transform_indices = @transform_4, window_bounds = array<i64: 128, 128>}, {transform_indices = @transform_5, window_bounds = array<i64: 1000, 128>}]} {
    %get3A = arith.constant 0 : index
    %get3A_0 = arith.constant 0 : index
    %get3A_1 = vector.load %arg3[%get3A, %get3A_0] : memref<1000x16xf32, #tpu.memory_space<vmem>>, vector<1000x1xf32>
    %get3A_2 = arith.constant 0 : index
    %get3A_3 = arith.constant 0 : index
    %get3A_4 = vector.load %arg1[%get3A_2, %get3A_3] : memref<1000x128xf32, #tpu.memory_space<vmem>>, vector<1000x128xf32>
    %get3A_5 = arith.constant 0 : index
    %get3A_6 = arith.constant 0 : index
    %get3A_7 = vector.load %arg2[%get3A_5, %get3A_6] : memref<1000x128xf32, #tpu.memory_space<vmem>>, vector<1000x128xf32>
    %add3A = arith.addf %get3A_4, %get3A_7 : vector<1000x128xf32>
    %mul3A = vector.broadcast %get3A_1 : vector<1000x1xf32> to vector<1000x128xf32>
    %mul3A_8 = arith.mulf %add3A, %mul3A : vector<1000x128xf32>
    %get3A_9 = arith.constant 0 : index
    %get3A_10 = arith.constant 0 : index
    %get3A_11 = vector.load %arg4[%get3A_9, %get3A_10] : memref<1x128xf32, #tpu.memory_space<vmem>>, vector<1x128xf32>
    %add3A_12 = vector.broadcast %get3A_11 : vector<1x128xf32> to vector<1000x128xf32>
    %add3A_13 = arith.addf %mul3A_8, %add3A_12 : vector<1000x128xf32>
    %max3A = arith.constant 0.000000e+00 : f32
    %max3A_14 = vector.broadcast %max3A : f32 to vector<1000x128xf32>
    %max3A_15 = arith.maximumf %add3A_13, %max3A_14 : vector<1000x128xf32>
    %get3A_16 = arith.constant 0 : index
    %get3A_17 = arith.constant 0 : index
    %get3A_18 = vector.load %arg5[%get3A_16, %get3A_17] : memref<128x128xf32, #tpu.memory_space<vmem>>, vector<128x128xf32>
    %dot_general3A = arith.constant dense<0.000000e+00> : vector<1000x128xf32>
    %dot_general3A_19 = tpu.matmul %max3A_15, %get3A_18, %dot_general3A {dimension_numbers = #tpu.dot_dimension_numbers<[1], [0], [0], [1], [0, 0, 1, 1], [], []>, transpose_lhs_hint = false} : vector<1000x128xf32>, vector<128x128xf32>, vector<1000x128xf32> -> vector<1000x128xf32>
    %mul3A_20 = vector.broadcast %get3A_1 : vector<1000x1xf32> to vector<1000x128xf32>
    %mul3A_21 = arith.mulf %dot_general3A_19, %mul3A_20 : vector<1000x128xf32>
    %swap3A = arith.constant 0 : index
    %swap3A_22 = arith.constant 0 : index
    %swap3A_23 = vector.load %arg6[%swap3A, %swap3A_22] : memref<1000x128xf32, #tpu.memory_space<vmem>>, vector<1000x128xf32>
    tpu.vector_store %arg6[%swap3A, %swap3A_22], %mul3A_21 {strides = array<i32>} : memref<1000x128xf32, #tpu.memory_space<vmem>>, vector<1000x128xf32>,
    return
  }
  func.func @transform_0(%arg0: i32) -> (i32, i32) {
    %c0_i32 = arith.constant 0 : i32
    %c0_i32_0 = arith.constant 0 : i32
    return %arg0, %c0_i32 : i32, i32
  }
  func.func @transform_1(%arg0: i32) -> (i32, i32) {
    %c0_i32 = arith.constant 0 : i32
    %c0_i32_0 = arith.constant 0 : i32
    return %arg0, %c0_i32 : i32, i32
  }
  func.func @transform_2(%arg0: i32) -> (i32, i32) {
    %c0_i32 = arith.constant 0 : i32
    %c0_i32_0 = arith.constant 0 : i32
    return %arg0, %c0_i32 : i32, i32
  }
  func.func @transform_3(%arg0: i32) -> (i32, i32) {
    %c0_i32 = arith.constant 0 : i32
    %c0_i32_0 = arith.constant 0 : i32
    %c0_i32_1 = arith.constant 0 : i32
    return %c0_i32, %c0_i32_0 : i32, i32
  }
  func.func @transform_4(%arg0: i32) -> (i32, i32) {
    %c0_i32 = arith.constant 0 : i32
    %c0_i32_0 = arith.constant 0 : i32
    %c0_i32_1 = arith.constant 0 : i32
    return %c0_i32, %c0_i32_0 : i32, i32
  }
  func.func @transform_5(%arg0: i32) -> (i32, i32) {
    %c0_i32 = arith.constant 0 : i32
    %c0_i32_0 = arith.constant 0 : i32
    return %arg0, %c0_i32 : i32, i32
  }
}

module attributes {stable_mosaic.version = 14 : i64} {
  func.func @_tc_post_body(%arg0: i32, %arg1: memref<1000x128xf32, #tpu.memory_space<vmem>>, %arg2: memref<1000x128xf32, #tpu.memory_space<vmem>>, %arg3: memref<1000x16xf32, #tpu.memory_space<vmem>>, %arg4: memref<1x128xf32, #tpu.memory_space<vmem>>, %arg5: memref<1000x128xf32, #tpu.memory_space<vmem>>) attributes {dimension_semantics = [#tpu.dimension_semantics<arbitrary>], iteration_bounds = array<i64: 10>, scalar_prefetch = 0 : i64, scratch_operands = 0 : i64, tpu.core_type = #tpu.core_type<tc>, window_params = [{transform_indices = @transform_0, window_bounds = array<i64: 1000, 128>}, {transform_indices = @transform_1, window_bounds = array<i64: 1000, 128>}, {transform_indices = @transform_2, window_bounds = array<i64: 1000, 16>}, {pipeline_mode = #tpu.pipeline_mode<synchronous>, transform_indices = @transform_3, window_bounds = array<i64: 1, 128>}, {transform_indices = @transform_4, window_bounds = array<i64: 1000, 128>}]} {
    %get3A = arith.constant 0 : index
    %get3A_0 = arith.constant 0 : index
    %get3A_1 = vector.load %arg3[%get3A, %get3A_0] : memref<1000x16xf32, #tpu.memory_space<vmem>>, vector<1000x1xf32>
    %get3A_2 = arith.constant 0 : index
    %get3A_3 = arith.constant 0 : index
    %get3A_4 = vector.load %arg1[%get3A_2, %get3A_3] : memref<1000x128xf32, #tpu.memory_space<vmem>>, vector<1000x128xf32>
    %get3A_5 = arith.constant 0 : index
    %get3A_6 = arith.constant 0 : index
    %get3A_7 = vector.load %arg2[%get3A_5, %get3A_6] : memref<1000x128xf32, #tpu.memory_space<vmem>>, vector<1000x128xf32>
    %add3A = arith.addf %get3A_4, %get3A_7 : vector<1000x128xf32>
    %mul3A = vector.broadcast %get3A_1 : vector<1000x1xf32> to vector<1000x128xf32>
    %mul3A_8 = arith.mulf %add3A, %mul3A : vector<1000x128xf32>
    %get3A_9 = arith.constant 0 : index
    %get3A_10 = arith.constant 0 : index
    %get3A_11 = vector.load %arg4[%get3A_9, %get3A_10] : memref<1x128xf32, #tpu.memory_space<vmem>>, vector<1x128xf32>
    %add3A_12 = vector.broadcast %get3A_11 : vector<1x128xf32> to vector<1000x128xf32>
    %add3A_13 = arith.addf %mul3A_8, %add3A_12 : vector<1000x128xf32>
    %swap3A = arith.constant 0 : index
    %swap3A_14 = arith.constant 0 : index
    %swap3A_15 = vector.load %arg5[%swap3A, %swap3A_14] : memref<1000x128xf32, #tpu.memory_space<vmem>>, vector<1000x128xf32>
    tpu.vector_store %arg5[%swap3A, %swap3A_14], %add3A_13 {strides = array<i32>} : memref<1000x128xf32, #tpu.memory_space<vmem>>, vector<1000x128xf32>,
    return
  }
  func.func @transform_0(%arg0: i32) -> (i32, i32) {
    %c0_i32 = arith.constant 0 : i32
    %c0_i32_0 = arith.constant 0 : i32
    return %arg0, %c0_i32 : i32, i32
  }
  func.func @transform_1(%arg0: i32) -> (i32, i32) {
    %c0_i32 = arith.constant 0 : i32
    %c0_i32_0 = arith.constant 0 : i32
    return %arg0, %c0_i32 : i32, i32
  }
  func.func @transform_2(%arg0: i32) -> (i32, i32) {
    %c0_i32 = arith.constant 0 : i32
    %c0_i32_0 = arith.constant 0 : i32
    return %arg0, %c0_i32 : i32, i32
  }
  func.func @transform_3(%arg0: i32) -> (i32, i32) {
    %c0_i32 = arith.constant 0 : i32
    %c0_i32_0 = arith.constant 0 : i32
    %c0_i32_1 = arith.constant 0 : i32
    return %c0_i32, %c0_i32_0 : i32, i32
  }
  func.func @transform_4(%arg0: i32) -> (i32, i32) {
    %c0_i32 = arith.constant 0 : i32
    %c0_i32_0 = arith.constant 0 : i32
    return %arg0, %c0_i32 : i32, i32
  }
}

</mosaic_0001>

<sc_bundles>
// kernel: kernel.11.cloned.1.call-start
scs
__scs_entry_jumppad:
0x0: {  	(pc) =	sbr.rel $0x88, $3  }
0x1: {  	(tag) =	ssettag $0x0;
	lr =	simm.s32 $0x1  }
0x2: {  	[smem:$0x3F9B] =	sst lr;
	_ =	strace $0xD0000000  }
0x3: {  	_ = 	snop  }
0x4: {  	_ = 	snop  }
0x5: {  	_ = 	snop  }
0x6: {  	_ = 	snop  }
0x7: {  	_ = 	snop  }
__scs_overlays_trampoline_lowered:
0x8: {  	[smem:$0x3FAA] =	sst s0  }
0x9: {  	[smem:$0x3FAB] =	sst s1  }
0xa: {  	[smem:$0x3FAC] =	sst s2  }
0xb: {  	[smem:$0x3FAD] =	sst s3  }
0xc: {  	[smem:$0x3FAE] =	sst s4  }
0xd: {  	[smem:$0x3FAF] =	sst s5  }
0xe: {  	[smem:$0x3FB0] =	sst s6  }
0xf: {  	[smem:$0x3FB1] =	sst s7  }
0x10: {  	[smem:$0x3FB2] =	sst s8  }
0x11: {  	[smem:$0x3FB3] =	sst s9;
	s0 =	simm.s32 @!p0 $0x0  }
0x12: {  	s1 =	sld [smem:$0x3F99];
	s0 =	simm.s32 @p0 $0x1  }
0x13: {  	[smem:$0x3FB4] =	sst s0;
	s0 =	simm.s32 @!p1 $0x0  }
0x14: {  	s2 =	sld [smem:$0x3F98];
	s0 =	simm.s32 @p1 $0x1  }
0x15: {  	[smem:$0x3FB5] =	sst s0;
	s0 =	simm.s32 @!p2 $0x0  }
0x16: {  	s3 =	sld [smem:$0x3FDB];
	s0 =	simm.s32 @p2 $0x1  }
0x17: {  	s4 =	simm.s32 $0x1BF5;
	[smem:$0x3FB7] =	sst s0  }
0x18: {  	s0 =	sld [smem:$0x3F9A];
	_ =	swait.ge [sflag:s4], $0x0  }
0x19: {  	s7 =	sld [smem:$0x3F9B]  }
0x1a: {  	s8 =	sadd.s32 $0xFFFFE003, lr  }
0x1b: {  	s9 =	sadd.s32 $0xFFFFFEF7, lr;
	s5 =	simm.s32 $0xFFFFFFFF;
	p2 =	slt.u32 s8, $0xFFFFF086  }
0x1c: {  	p1 =	slt.u32 s9, $0xF7A;
	s5 =	simm.s32 @!p2 $0x0  }
0x1d: {  	s5 =	simm.s32 @p1 $0x1;
	p0 =	seq.s32 s7, s2  }
0x1e: {  	s7 =	smul.u32 @!p0 $0xF7A, s2;
	p2 =	seq.s32 @!p0 s5, $0x0  }
0x1f: {  	s9 =	smul.u32 $0xF7A, s1;
	s8 =	simm.s32 @!p0 $0x1BF5;
	p2 =	por !p2, p0  }
0x20: {  	[sflag:s8] =	ssyncset.s32 @!p0 $0xFFFFF086;
	s6 =	sadd.s32 @!p0 s3, s7;
	s7 =	simm.s32 @!p0 $0x108  }
0x21: {  	s3 =	sadd.s32 s3, s9;
	s6 =	sadd.s32 @!p0 $0x88, s6;
	s7 =	simm.s32 @p2 $0x1082  }
0x22: {  	[simem:s7], [sflag:s8] =	dma.local @!p0 [hbm:s6], $0xF7A  }
0x23: {  	s9 =	sor.u32 $0xD0000000, s2;
	s6 =	simm.s32 $0x108;
	_ =	swait.ge @!p0 [sflag:s8], $0x0  }
0x24: {  	s3 =	sadd.s32 $0x88, s3;
	s6 =	simm.s32 @!p1 $0x1082;
	[sflag:s4] =	ssyncset.s32 $0xFFFFF086  }
0x25: {  	[simem:s6], [sflag:s4] =	dma.local [hbm:s3], $0xF7A  }
0x26: {  	[smem:$0x3F9B] =	sst s1;
	(tag) =	ssettag s2;
	_ =	strace s9  }
0x27: {  	s1 =	sld [smem:$0x3FAB]  }
0x28: {  	s2 =	sld [smem:$0x3FAC]  }
0x29: {  	s4 =	sld [smem:$0x3FAE]  }
0x2a: {  	p0 =	seq.s32 s5, $0x0;
	s5 =	sld [smem:$0x3FAF]  }
0x2b: {  	s6 =	sld [smem:$0x3FB0]  }
0x2c: {  	s7 =	sld [smem:$0x3FB1]  }
0x2d: {  	s3 =	simm.s32 $0x108;
	s8 =	sld [smem:$0x3FB2]  }
0x2e: {  	s3 =	simm.s32 @!p0 $0x1082;
	s9 =	sld [smem:$0x3FB3]  }
0x2f: {  	lr =	sadd.s32 s0, s3;
	s0 =	sld [smem:$0x3FAA]  }
0x30: {  	s3 =	sld [smem:$0x3FAD]  }
0x31: {  	[smem:$0x3FB6] =	sst s10  }
0x32: {  	s10 =	sld [smem:$0x3FB4];
	_ =	sdelay $0x3  }
0x33: {  	p0 =	seq.s32 s10, $0x1;
	s10 =	sld [smem:$0x3FB6];
	_ =	sdelay $0x3  }
0x34: {  	[smem:$0x3FB6] =	sst s10  }
0x35: {  	s10 =	sld [smem:$0x3FB5];
	_ =	sdelay $0x3  }
0x36: {  	p1 =	seq.s32 s10, $0x1;
	s10 =	sld [smem:$0x3FB6];
	_ =	sdelay $0x3  }
0x37: {  	[smem:$0x3FB6] =	sst s10  }
0x38: {  	s10 =	sld [smem:$0x3FB7]  }
0x39: {  	_ = 	snop;
	(pc) =	sbr.ind lr, $3  }
0x3a: {  	_ = 	snop  }
0x3b: {  	_ = 	snop  }
0x3c: {  	p2 =	seq.s32 s10, $0x1;
	s10 =	sld [smem:$0x3FB6]  }
0x3d: {  	_ =	shalt  }
0x3e: {  	_ =	shalt  }
0x3f: {  	_ =	shalt  }
0x40: {  	_ =	shalt  }
0x41: {  	_ =	shalt  }
0x42: {  	_ =	shalt  }
0x43: {  	_ =	shalt  }
0x44: {  	_ =	shalt  }
0x45: {  	_ =	shalt  }
0x46: {  	_ =	shalt  }
0x47: {  	_ =	shalt  }
0x48: {  	_ =	shalt  }
0x49: {  	_ =	shalt  }
0x4a: {  	_ =	shalt  }
0x4b: {  	_ =	shalt  }
0x4c: {  	_ =	shalt  }
0x4d: {  	_ =	shalt  }
0x4e: {  	_ =	shalt  }
0x4f: {  	_ =	shalt  }
0x50: {  	_ =	shalt  }
0x51: {  	_ =	shalt  }
0x52: {  	_ =	shalt  }
0x53: {  	_ =	shalt  }
0x54: {  	_ =	shalt  }
0x55: {  	_ =	shalt  }
0x56: {  	_ =	shalt  }
0x57: {  	_ =	shalt  }
0x58: {  	_ =	shalt  }
0x59: {  	_ =	shalt  }
0x5a: {  	_ =	shalt  }
0x5b: {  	_ =	shalt  }
0x5c: {  	_ =	shalt  }
0x5d: {  	_ =	shalt  }
0x5e: {  	_ =	shalt  }
0x5f: {  	_ =	shalt  }
0x60: {  	_ =	shalt  }
0x61: {  	_ =	shalt  }
0x62: {  	_ =	shalt  }
0x63: {  	_ =	shalt  }
0x64: {  	_ =	shalt  }
0x65: {  	_ =	shalt  }
0x66: {  	_ =	shalt  }
0x67: {  	_ =	shalt  }
0x68: {  	_ =	shalt  }
0x69: {  	_ =	shalt  }
0x6a: {  	_ =	shalt  }
0x6b: {  	_ =	shalt  }
0x6c: {  	_ =	shalt  }
0x6d: {  	_ =	shalt  }
0x6e: {  	_ =	shalt  }
0x6f: {  	_ =	shalt  }
0x70: {  	_ =	shalt  }
0x71: {  	_ =	shalt  }
0x72: {  	_ =	shalt  }
0x73: {  	_ =	shalt  }
0x74: {  	_ =	shalt  }
0x75: {  	_ =	shalt  }
0x76: {  	_ =	shalt  }
0x77: {  	_ =	shalt  }
0x78: {  	_ =	shalt  }
0x79: {  	_ =	shalt  }
0x7a: {  	_ =	shalt  }
0x7b: {  	_ =	shalt  }
0x7c: {  	_ =	shalt  }
0x7d: {  	_ =	shalt  }
0x7e: {  	_ =	shalt  }
0x7f: {  	_ =	shalt  }
0x80: {  	_ =	shalt  }
0x81: {  	_ =	shalt  }
0x82: {  	_ =	shalt  }
0x83: {  	_ =	shalt  }
0x84: {  	_ =	shalt  }
0x85: {  	_ =	shalt  }
0x86: {  	_ =	shalt  }
0x87: {  	_ =	shalt  }
.Lfunc_end0:
.L_simem_size_0:
called_computation.1_lowered:
.L_overlay_start_0:
0x88: {  	s2 =	sld [smem:$0x3FD9]  }
0x89: {  	s3 =	sld [smem:$0x3FFE];
	_ =	sdelay $0x1  }
0x8a: {  	s1 =	srdreg.scid  }
0x8b: {  	s0 =	sand.u32 $0x1, s1  }
0x8c: {  	s17 =	sshll.u32 s0, $0xA;
	s2 =	sadd.s32 s3, s2  }
0x8d: {  	s2 =	sadd.s32 s2, s17  }
0x8e: {  	[smem:$0x3FC2] =	sst s2  }
0x8f: {  	_ = 	snop  }
0x90: {  	s2 =	sld [smem:$0x3FD0];
	(tm) =	ssettm $0x1  }
0x91: {  	s18 =	sld [smem:$0x3FFB];
	_ =	sdelay $0x3  }
0x92: {  	_ =	strace s18  }
0x93: {  	s3 =	sld [smem:$0x3FFC];
	_ =	sdelay $0x3  }
0x94: {  	_ =	strace s3  }
0x95: {  	s3 =	sld [smem:$0x3FFD];
	_ =	sdelay $0x3  }
0x96: {  	_ =	strace s3  }
0x97: {  	_ =	strace $0x8FFFFFFF  }
0x98: {  	s19 =	sld [smem:$0x3FDB];
	_ =	sdelay $0x1  }
0x99: {  	s4 =	simm.s32 $_scs_section_size  }
0x9a: {  	s5 =	simm.s32 $_size__tile_overlayer_lowered;
	s6 =	simm.s32 $_tile_overlayer_lowered  }
0x9b: {  	s22 =	simm.s32 $0x1BFF;
	s21 =	sshll.u32 s6, $0x1;
	s3 =	sadd.s32 s4, s19  }
0x9c: {  	s7 =	simm.s32 $0x0;
	s20 =	sshll.u32 s5, $0x1;
	s5 =	sadd.s32 s21, s3  }
0x9d: {  	[timem:s7], [sflag:s22] =	dma.local [hbm:s5], s20  }
0x9e: {  	_ =	swait.ge [sflag:s22], s20  }
0x9f: {  	s4 =	ssub.s32 $0x0, s20;
	[sflag:s22] =	ssyncset.done $0x0  }
0xa0: {  	[sflag:s22] =	ssyncadd.s32 s4;
	_ =	sdelay $0x1  }
0xa1: {  	s23 =	simm.s32 $0x1B8B  }
0xa2: {  	_ =	swait.ge [sflag:s23], $0x1  }
0xa3: {  	[sflag:s23] =	ssyncset.done $0x0  }
0xa4: {  	s25 =	simm.s32 $0x1B8E;
	s24 =	sld [smem:$0x3FFE];
	[sflag:s23] =	ssyncadd.s32 $0xFFFFFFFF  }
0xa5: {  	s26 =	simm.s32 $execute0_lowered;
	[smem:$0x3FD2] =	sst s25  }
0xa6: {  	s5 =	sshll.u32 s26, $0x1;
	_ =	strace $0x80000049;
	[dreg:$0x1] =	wrdreg $0xFFFFFFFF  }
0xa7: {  	s28 =	simm.s32 $_size_execute0_lowered;
	s3 =	sadd.s32 s3, s5;
	[dreg:$0x0] =	wrdreg $0x0  }
0xa8: {  	s5 =	sshll.u32 s28, $0x1;
	[dreg:$0x2] =	wrdreg s3  }
0xa9: {  	[dreg:$0x3] =	wrdreg s5  }
0xaa: {  	[dreg:$0x4] =	wrdreg $0xC0  }
0xab: {  	_ =	task [dreg:s7], $0x5FFFF  }
0xac: {  	[dreg:$0x1] =	wrdreg $0xFFFFFFFF  }
0xad: {  	[dreg:$0x0] =	wrdreg $0x60  }
0xae: {  	[dreg:$0x2] =	wrdreg s24  }
0xaf: {  	[dreg:$0x3] =	wrdreg s2  }
0xb0: {  	[dreg:$0x4] =	wrdreg $0xB7800  }
0xb1: {  	[dreg:$0x5] =	wrdreg $0x9  }
0xb2: {  	_ =	task.clear_ibuf [dreg:s7], $0x6FFFF;
	_ =	strace $0x90000049  }
0xb3: {  	s29 =	simm.s32 $0x9;
	_ =	strace $0x8000004B  }
0xb4: {  	_ =	swait.ge [sflag:s29], $0x1  }
0xb5: {  	[sflag:s29] =	ssyncadd.s32 $0xFFFFFFFF  }
0xb6: {  	_ =	strace $0x9000004B  }
0xb7: {  	_ =	sfence  }
0xb8: {  	s30 =	sld [smem:$0x0];
	_ =	sdelay $0x2  }
0xb9: {  	s31 =	sshll.u32 s1, $0xD;
	s1 =	sshrl.u32 s1, $0x2  }
0xba: {  	s3 =	sand.u32 $0x4000, s31;
	s1 =	sadd.s32 s1, s30  }
0xbb: {  	s0 =	sor.u32 s3, s0;
	s1 =	sshll.u32 s1, $0x11  }
0xbc: {  	s0 =	sor.u32 s1, s0  }
0xbd: {  	s0 =	sadd.s32 $0x8F2B, s0  }
0xbe: {  	[sflag:s0] =	ssyncadd.remote.s32 $0x1  }
0xbf: {  	_ =	sfence.sel $0xFFFF  }
0xc0: {  	[dreg:$0x0] =	wrdreg $0xFFFFFFFF;
	(pc) =	sbr.abs _section_cstart, $3  }
0xc1: {  	[dreg:$0x1] =	wrdreg $0xFFFFFFFF  }
0xc2: {  	_ =	task.clear_ibuf [dreg:s7], $0x2FFFF;
	_ =	strace $0x9FFFFFFF  }
0xc3: {  	(tm) =	ssettm $0x7FFFFFFF  }
tec
execute0_lowered:
.L_overlay_start_1:
0x0: {  	(tag) =	ssettag $0x1  }
0x1: {  	s0 =	rddreg [dreg:$0x0]  }
0x2: {  	s1 =	srdreg.scid;
	s2 =	rddreg [dreg:$0x1]  }
0x3: {  	s7 =	stileid.u32;
	s3 =	rddreg [dreg:$0x2]  }
0x4: {  	s18 =	simm.s32 $0x5;
	s28 =	simm.s32 $0x3;
	s29 =	simm.s32 $0xF0  }
0x5: {  	s30 =	simm.s32 $0x2;
	s31 =	simm.s32 $0x2880;
	s1 =	sand.u32 $0x1, s1  }
0x6: {  	s4 =	sshll.u32 s7, $0x1;
	s11 =	sadd.s32 $0xCA00, s0;
	s9 =	smul.u32 $0x4E000, s7  }
0x7: {  	s13 =	sadd.s32 $0x33C00, s0;
	s12 =	smul.u32 $0x2700, s7;
	s14 =	sadd.s32 $0x6E200, s0  }
0x8: {  	s23 =	sadd.s32 $0x138000, s3;
	p1 =	seq.s32 s7, $0xF;
	s15 =	sshll.u32 s7, $0x6  }
0x9: {  	p2 =	sne.s32 s7, $0xF;
	s5 =	sor.u32 s1, s4;
	s4 =	simm.s32 $0x0  }
0xa: {  	s8 =	ssub.s32 $0x2, s1;
	p0 =	sne.s32 s1, $0x0;
	s16 =	sor.u32 $0x1C05, s15  }
0xb: {  	s19 =	sshrl.u32 s23, $0x3;
	s23 =	simm.s32 $0xA0;
	s1 =	simm.s32 $0x4  }
0xc: {  	s6 =	smul.u32 $0x4E2, s5;
	[smem:$0x7FF] =	sst s4;
	s5 =	sshll.u32 s5, $0xB  }
0xd: {  	s22 =	sadd.s32 s11, s12;
	_ =	strace $0x8000004A;
	[dreg:$0x4] =	wrdreg s11  }
0xe: {  	s10 =	sshrl.u32 s8, $0x1;
	s24 =	sadd.s32 s2, s12;
	[dreg:$0x7] =	wrdreg s22  }
0xf: {  	s21 =	sshrl.u32 s9, $0x2;
	s25 =	sadd.s32 s14, s12;
	[dreg:$0x8] =	wrdreg s24  }
0x10: {  	s26 =	sadd.s32 s13, s12;
	s9 =	simm.s32 $0x6580;
	[dreg:$0x6] =	wrdreg s14  }
0x11: {  	s12 =	simm.s32 $0x0;
	s5 =	sadd.s32 s5, s0;
	[dreg:$0x9] =	wrdreg s25  }
0x12: {  	s20 =	ssub.s32 s8, s10;
	s8 =	sadd.s32 s21, s3;
	[dreg:$0x5] =	wrdreg s13  }
.Ltmp0:
0x13: {  	[dreg:$0xa] =	wrdreg s26;
	s21 =	simm.s32 $0x50;
	(pc) =	sbr.rel .LBB2_1-.Ltmp0, $4  }
0x14: {  	s22 =	simm.s32 $0x6780;
	s24 =	simm.s32 $0x8F80;
	s25 =	simm.s32 $0x1  }
0x15: {  	s26 =	simm.s32 $0x2800;
	s6 =	sadd.s32 s6, s0;
	s11 =	sadd.s32 $0x5E200, s5  }
0x16: {  	s14 =	smax.u32 s20, $0x1;
	s17 =	sshrl.u32 s8, $0x3;
	s20 =	simm.s32 $0x2780  }
0x17: {  	s0 =	simm.s32 $0x26C0;
	s8 =	simm.s32 $0x6500;
	s10 =	sadd.s32 $0x2C00, s6  }
.LBB2_10:
0x18: {  	s6 =	sadd.s32 $0x27000, s6  }
0x19: {  	[hbm:s6], [sflag:s5] =	dma.local [spmem:s19], $0x100  }
0x1a: {  	_ =	swait.ge [sflag:s18], $0x100  }
0x1b: {  	[sflag:s18] =	ssyncset.done $0x0  }
0x1c: {  	[sflag:s18] =	ssyncadd.s32 $0xFFFFFF00  }
.LBB2_11:
0x1d: {  	s12 =	sadd.s32 $0x1, s12  }
0x1e: {  	p3 =	sne.s32 s12, s14  }
.Ltmp1:
0x1f: {  	_ = 	snop;
	(pc) =	sbr.rel @!p3 .LBB2_12-.Ltmp1, $1  }
0x20: {  	_ =	sdelay $0x3  }
.LBB2_1:
.Ltmp2:
0x21: {  	(pc) =	sbr.rel @p0 .LBB2_3-.Ltmp2, $1  }
0x22: {  	_ =	sdelay $0x3  }
0x23: {  	s5 =	rddreg [dreg:$0x8]  }
0x24: {  	[spmem:s17], [sflag:s16] =	dma.local [hbm:s5], $0x2700  }
.Ltmp3:
0x25: {  	_ = 	snop;
	(pc) =	sbr.rel @p1 .LBB2_4-.Ltmp3, $4  }
.Ltmp4:
0x26: {  	_ = 	snop;
	(pc) =	sbr.rel @!p1 .LBB2_5-.Ltmp4, $4  }
0x27: {  	_ =	swait.ge [sflag:s18], $0x2700  }
0x28: {  	[sflag:s18] =	ssyncset.done $0x0  }
0x29: {  	s6 =	smov.u32 s2;
	s5 =	smov.u32 s16;
	[sflag:s18] =	ssyncadd.s32 $0xFFFFD900  }
0x2a: {  	_ = 	snop  }
.LBB2_3:
.Ltmp5:
0x2b: {  	s5 =	sor.u32 $0x1C05, s15;
	s6 =	rddreg [dreg:$0x7];
	(pc) =	sbr.rel @p2 .LBB2_5-.Ltmp5, $4  }
0x2c: {  	[spmem:s17], [sflag:s5] =	dma.local [hbm:s6], $0x2700  }
0x2d: {  	_ =	swait.ge [sflag:s18], $0x2700  }
0x2e: {  	[sflag:s18] =	ssyncset.done $0x0  }
0x2f: {  	s6 =	rddreg [dreg:$0x4];
	[sflag:s18] =	ssyncadd.s32 $0xFFFFD900  }
.LBB2_4:
0x30: {  	s6 =	sadd.s32 $0x27000, s6  }
0x31: {  	[spmem:s19], [sflag:s5] =	dma.local [hbm:s6], $0x100  }
0x32: {  	_ =	swait.ge [sflag:s18], $0x100  }
0x33: {  	[sflag:s18] =	ssyncset.done $0x0  }
0x34: {  	[sflag:s18] =	ssyncadd.s32 $0xFFFFFF00  }
.LBB2_5:
0x35: {  	[tilespmem:s4], [sflag:$0x5] =	stream.linear.gather [hbm4b:s10+s4], $0x2710, $0x38;
	[tilespmem:$0x1F000] =	vst v63  }
0x36: {  	_ =	swait.ge [sflag:s18], $0x2710  }
0x37: {  	[sflag:s18] =	ssyncset.done $0x0  }
0x38: {  	[sflag:s18] =	ssyncadd.s32 $0xFFFFD8F0  }
0x39: {  	[tilespmem:s20], [sflag:$0x5] =	stream.linear.gather [hbm4b:s11+s4], $0x3E80, $0x38;
	[tilespmem:$0x1F000] =	vst v63  }
0x3a: {  	_ =	swait.ge [sflag:s18], $0x3E80  }
0x3b: {  	[sflag:s18] =	ssyncset.done $0x0  }
0x3c: {  	[sflag:s18] =	ssyncadd.s32 $0xFFFFC180  }
0x3d: {  	[bflag:$0x0] =	sbarrier.arrive $0xFFFF  }
0x3e: {  	[tilespmem:s22], [sflag:$0x5] =	stream.indirect.gather [hbm4b:s2+s21], $0x80, s4, s21, $0xb8;
	[tilespmem:$0x1F000] =	vst v63  }
0x3f: {  	_ =	swait.ge [sflag:s18], $0x2800  }
0x40: {  	[sflag:s18] =	ssyncset.done $0x0  }
0x41: {  	[sflag:s18] =	ssyncadd.s32 $0xFFFFD800  }
0x42: {  	[spmem:s3] =	stream.indirect.scatter.add.f32 [tilespmem:s22], [sflag:$0x5], $0x80, s20, s21, $0xb8;
	[tilespmem:$0x1F000] =	vst v63  }
0x43: {  	_ =	swait.ge [sflag:s18], $0x2800  }
0x44: {  	[sflag:s18] =	ssyncset.done $0x0  }
0x45: {  	[sflag:s18] =	ssyncadd.s32 $0xFFFFD800  }
0x46: {  	[tilespmem:s22], [sflag:$0x1] =	stream.indirect.gather [hbm4b:s2+s21], $0x80, s21, s21, $0xb8;
	[tilespmem:$0x1F000] =	vst v63  }
0x47: {  	_ = 	snop  }
0x48: {  	[tilespmem:s24], [sflag:$0x2] =	stream.indirect.gather [hbm4b:s2+s21], $0x80, s23, s21, $0xb8;
	[tilespmem:$0x1F000] =	vst v63  }
0x49: {  	_ =	swait.ge [sflag:s25], $0x2800  }
0x4a: {  	[sflag:s25] =	ssyncset.done $0x0  }
0x4b: {  	[sflag:s25] =	ssyncadd.s32 $0xFFFFD800  }
0x4c: {  	[spmem:s3] =	stream.indirect.scatter.add.f32 [tilespmem:s22], [sflag:$0x3], $0x80, s26, s21, $0xb8;
	[tilespmem:$0x1F000] =	vst v63  }
0x4d: {  	_ =	swait.ge [sflag:s28], $0x2800  }
0x4e: {  	[sflag:s28] =	ssyncset.done $0x0  }
0x4f: {  	[sflag:s28] =	ssyncadd.s32 $0xFFFFD800  }
0x50: {  	[tilespmem:s22], [sflag:$0x1] =	stream.indirect.gather [hbm4b:s2+s21], $0x80, s29, s21, $0xb8;
	[tilespmem:$0x1F000] =	vst v63  }
0x51: {  	_ =	swait.ge [sflag:s30], $0x2800  }
0x52: {  	[sflag:s30] =	ssyncset.done $0x0  }
0x53: {  	[sflag:s30] =	ssyncadd.s32 $0xFFFFD800  }
0x54: {  	[spmem:s3] =	stream.indirect.scatter.add.f32 [tilespmem:s24], [sflag:$0x4], $0x80, s31, s21, $0xb8;
	[tilespmem:$0x1F000] =	vst v63  }
0x55: {  	_ =	swait.ge [sflag:s1], $0x2800  }
0x56: {  	[sflag:s1] =	ssyncset.done $0x0  }
0x57: {  	s5 =	simm.s32 $0x140;
	[sflag:s1] =	ssyncadd.s32 $0xFFFFD800  }
0x58: {  	[tilespmem:s24], [sflag:$0x2] =	stream.indirect.gather [hbm4b:s2+s21], $0x80, s5, s21, $0xb8;
	[tilespmem:$0x1F000] =	vst v63  }
0x59: {  	_ =	swait.ge [sflag:s25], $0x2800  }
0x5a: {  	[sflag:s25] =	ssyncset.done $0x0  }
0x5b: {  	s7 =	simm.s32 $0x2900;
	[sflag:s25] =	ssyncadd.s32 $0xFFFFD800  }
0x5c: {  	[spmem:s3] =	stream.indirect.scatter.add.f32 [tilespmem:s22], [sflag:$0x3], $0x80, s7, s21, $0xb8;
	[tilespmem:$0x1F000] =	vst v63  }
0x5d: {  	_ =	swait.ge [sflag:s28], $0x2800  }
0x5e: {  	[sflag:s28] =	ssyncset.done $0x0  }
0x5f: {  	s13 =	simm.s32 $0x190;
	[sflag:s28] =	ssyncadd.s32 $0xFFFFD800  }
0x60: {  	[tilespmem:s22], [sflag:$0x1] =	stream.indirect.gather [hbm4b:s2+s21], $0x80, s13, s21, $0xb8;
	[tilespmem:$0x1F000] =	vst v63  }
0x61: {  	_ =	swait.ge [sflag:s30], $0x2800  }
0x62: {  	s6 =	simm.s32 $0x2980;
	[sflag:s30] =	ssyncset.done $0x0  }
0x63: {  	s5 =	simm.s32 $0xFFFF1400;
	s13 =	simm.s32 $0x230;
	[sflag:s30] =	ssyncadd.s32 $0xFFFFD800  }
.LBB2_6:
0x64: {  	[spmem:s3] =	stream.indirect.scatter.add.f32 [tilespmem:s24], [sflag:$0x4], $0x80, s6, s21, $0xb8;
	[tilespmem:$0x1F000] =	vst v63  }
0x65: {  	s6 =	smov.u32 s5  }
0x66: {  	p3 =	sne.s32 s5, $0xFFFFFC00;
	s5 =	sadd.s32 $0x400, s5;
	_ =	swait.ge [sflag:s1], $0x2800  }
0x67: {  	[sflag:s1] =	ssyncset.done $0x0  }
0x68: {  	s7 =	sadd.s32 $0xFFFFFFB0, s13;
	[sflag:s1] =	ssyncadd.s32 $0xFFFFD800  }
0x69: {  	[tilespmem:s24], [sflag:$0x2] =	stream.indirect.gather [hbm4b:s2+s21], $0x80, s7, s21, $0xb8;
	[tilespmem:$0x1F000] =	vst v63  }
0x6a: {  	_ =	swait.ge [sflag:s25], $0x2800  }
0x6b: {  	s6 =	sshra.s32 s6, $0x2;
	[sflag:s25] =	ssyncset.done $0x0  }
0x6c: {  	s7 =	sadd.s32 $0x6500, s6;
	[sflag:s25] =	ssyncadd.s32 $0xFFFFD800  }
0x6d: {  	[spmem:s3] =	stream.indirect.scatter.add.f32 [tilespmem:s22], [sflag:$0x3], $0x80, s7, s21, $0xb8;
	[tilespmem:$0x1F000] =	vst v63  }
0x6e: {  	_ =	swait.ge [sflag:s28], $0x2800  }
0x6f: {  	[sflag:s28] =	ssyncset.done $0x0  }
.Ltmp6:
0x70: {  	[sflag:s28] =	ssyncadd.s32 $0xFFFFD800;
	(pc) =	sbr.rel @p3 .LBB2_6-.Ltmp6, $4  }
0x71: {  	[tilespmem:s22], [sflag:$0x1] =	stream.indirect.gather [hbm4b:s2+s21], $0x80, s13, s21, $0xb8;
	[tilespmem:$0x1F000] =	vst v63  }
0x72: {  	_ =	swait.ge [sflag:s30], $0x2800  }
0x73: {  	[sflag:s30] =	ssyncset.done $0x0  }
0x74: {  	s6 =	sadd.s32 $0x6580, s6;
	s13 =	sadd.s32 $0xA0, s13;
	[sflag:s30] =	ssyncadd.s32 $0xFFFFD800  }
0x75: {  	[spmem:s3] =	stream.indirect.scatter.add.f32 [tilespmem:s24], [sflag:$0x4], $0x80, s6, s21, $0xb8;
	[tilespmem:$0x1F000] =	vst v63  }
0x76: {  	_ =	swait.ge [sflag:s1], $0x2800  }
0x77: {  	[sflag:s1] =	ssyncset.done $0x0  }
0x78: {  	[sflag:s1] =	ssyncadd.s32 $0xFFFFD800  }
0x79: {  	[tilespmem:s24], [sflag:$0x2] =	stream.indirect.gather [hbm4b:s2+s21], $0x80, s0, s21, $0xb8;
	[tilespmem:$0x1F000] =	vst v63  }
0x7a: {  	_ =	swait.ge [sflag:s25], $0x2800  }
0x7b: {  	[sflag:s25] =	ssyncset.done $0x0  }
0x7c: {  	[sflag:s25] =	ssyncadd.s32 $0xFFFFD800  }
0x7d: {  	[spmem:s3] =	stream.indirect.scatter.add.f32 [tilespmem:s22], [sflag:$0x3], $0x80, s8, s21, $0xb8;
	[tilespmem:$0x1F000] =	vst v63  }
0x7e: {  	_ =	swait.ge [sflag:s30], $0x2800  }
0x7f: {  	[sflag:s30] =	ssyncset.done $0x0  }
0x80: {  	[sflag:s30] =	ssyncadd.s32 $0xFFFFD800  }
0x81: {  	[spmem:s3] =	stream.indirect.scatter.add.f32 [tilespmem:s24], [sflag:$0x4], $0x80, s9, s21, $0xb8;
	[tilespmem:$0x1F000] =	vst v63  }
0x82: {  	_ =	swait.ge [sflag:s28], $0x2800  }
0x83: {  	[sflag:s28] =	ssyncset.done $0x0  }
0x84: {  	[sflag:s28] =	ssyncadd.s32 $0xFFFFD800  }
.Ltmp7:
0x85: {  	_ =	swait.ge [sflag:s1], $0x2800;
	(pc) =	sbr.rel @p0 .LBB2_9-.Ltmp7, $4  }
0x86: {  	[sflag:s1] =	ssyncset.done $0x0  }
0x87: {  	[sflag:s1] =	ssyncadd.s32 $0xFFFFD800  }
0x88: {  	[bflag:$0x0] =	sbarrier.arrive $0xFFFF  }
0x89: {  	s5 =	sor.u32 $0x1C05, s15  }
0x8a: {  	s6 =	rddreg [dreg:$0xa]  }
0x8b: {  	[hbm:s6], [sflag:s5] =	dma.local [spmem:s17], $0x2700  }
.Ltmp8:
0x8c: {  	_ = 	snop;
	(pc) =	sbr.rel @p1 .LBB2_10-.Ltmp8, $4  }
.Ltmp9:
0x8d: {  	_ = 	snop;
	(pc) =	sbr.rel @!p1 .LBB2_11-.Ltmp9, $4  }
0x8e: {  	_ =	swait.ge [sflag:s18], $0x2700  }
0x8f: {  	[sflag:s18] =	ssyncset.done $0x0  }
0x90: {  	s6 =	rddreg [dreg:$0x5];
	[sflag:s18] =	ssyncadd.s32 $0xFFFFD900  }
0x91: {  	_ = 	snop  }
.LBB2_9:
0x92: {  	s6 =	rddreg [dreg:$0x9]  }
0x93: {  	[hbm:s6], [sflag:s5] =	dma.local [spmem:s17], $0x2700  }
.Ltmp10:
0x94: {  	_ = 	snop;
	(pc) =	sbr.rel @p2 .LBB2_11-.Ltmp10, $4  }
.Ltmp11:
0x95: {  	_ = 	snop;
	(pc) =	sbr.rel @!p2 .LBB2_10-.Ltmp11, $4  }
0x96: {  	_ =	swait.ge [sflag:s18], $0x2700  }
0x97: {  	[sflag:s18] =	ssyncset.done $0x0  }
0x98: {  	s6 =	rddreg [dreg:$0x6];
	[sflag:s18] =	ssyncadd.s32 $0xFFFFD900  }
0x99: {  	_ = 	snop  }
.LBB2_12:
0x9a: {  	_ =	sfence.sel $0x180000  }
0x9b: {  	[bflag:$0x0] =	sbarrier.arrive $0xFFFF  }
0x9c: {  	_ =	strace $0x9000004A  }
0x9d: {  	s0 =	stileid.u32;
	[bflag:$0x2] =	sbarrier.arrive $0xFFFF  }
0x9e: {  	p0 =	sne.s32 s0, $0x0;
	s0 =	rddreg [dreg:$0x3]  }
0x9f: {  	s0 =	sadd.s32 @!p0 $0x100000, s0  }
0xa0: {  	[sflag:s0] =	ssyncadd.tile.s32 @!p0 $0x1;
	_ =	shalt  }
.Lfunc_end2:
_tile_overlayer_lowered:
.L_overlay_start_2:
0xa1: {  	(tag) =	ssettag $0x2  }
0xa2: {  	s0 =	rddreg [dreg:$0x0];
	s2 =	stileid.u32  }
0xa3: {  	s1 =	rddreg [dreg:$0x1];
	p0 =	sne.s32 s2, $0x0  }
0xa4: {  	s3 =	rddreg [dreg:$0x2];
	[bflag:$0x3] =	sbarrier.arrive $0xFFFF;
	s2 =	simm.s32 @!p0 $0x1C05  }
0xa5: {  	[timem:s3], [sflag:s2] =	dma.local @!p0 [hbm:s0], s1  }
0xa6: {  	s0 =	simm.s32 @!p0 $0x5  }
0xa7: {  	_ =	swait.ge @!p0 [sflag:s0], s1  }
0xa8: {  	s1 =	ssub.s32 @!p0 $0x0, s1;
	[sflag:s0] =	ssyncset.done @!p0 $0x0  }
0xa9: {  	[sflag:s0] =	ssyncadd.s32 @!p0 s1  }
0xaa: {  	[bflag:$0x3] =	sbarrier.arrive $0xFFFF  }
0xab: {  	_ =	shalt  }

// kernel: kernel.14.cloned.1.call-start
scs
__scs_entry_jumppad:
0x0: {  	(pc) =	sbr.rel $0x88, $3  }
0x1: {  	(tag) =	ssettag $0x0;
	lr =	simm.s32 $0x1  }
0x2: {  	[smem:$0x3F9B] =	sst lr;
	_ =	strace $0xD0000000  }
0x3: {  	_ = 	snop  }
0x4: {  	_ = 	snop  }
0x5: {  	_ = 	snop  }
0x6: {  	_ = 	snop  }
0x7: {  	_ = 	snop  }
__scs_overlays_trampoline_lowered:
0x8: {  	[smem:$0x3FAA] =	sst s0  }
0x9: {  	[smem:$0x3FAB] =	sst s1  }
0xa: {  	[smem:$0x3FAC] =	sst s2  }
0xb: {  	[smem:$0x3FAD] =	sst s3  }
0xc: {  	[smem:$0x3FAE] =	sst s4  }
0xd: {  	[smem:$0x3FAF] =	sst s5  }
0xe: {  	[smem:$0x3FB0] =	sst s6  }
0xf: {  	[smem:$0x3FB1] =	sst s7  }
0x10: {  	[smem:$0x3FB2] =	sst s8  }
0x11: {  	[smem:$0x3FB3] =	sst s9;
	s0 =	simm.s32 @!p0 $0x0  }
0x12: {  	s1 =	sld [smem:$0x3F99];
	s0 =	simm.s32 @p0 $0x1  }
0x13: {  	[smem:$0x3FB4] =	sst s0;
	s0 =	simm.s32 @!p1 $0x0  }
0x14: {  	s2 =	sld [smem:$0x3F98];
	s0 =	simm.s32 @p1 $0x1  }
0x15: {  	[smem:$0x3FB5] =	sst s0;
	s0 =	simm.s32 @!p2 $0x0  }
0x16: {  	s3 =	sld [smem:$0x3FDB];
	s0 =	simm.s32 @p2 $0x1  }
0x17: {  	s4 =	simm.s32 $0x1BF5;
	[smem:$0x3FB7] =	sst s0  }
0x18: {  	s0 =	sld [smem:$0x3F9A];
	_ =	swait.ge [sflag:s4], $0x0  }
0x19: {  	s7 =	sld [smem:$0x3F9B]  }
0x1a: {  	s8 =	sadd.s32 $0xFFFFE003, lr  }
0x1b: {  	s9 =	sadd.s32 $0xFFFFFEF7, lr;
	s5 =	simm.s32 $0xFFFFFFFF;
	p2 =	slt.u32 s8, $0xFFFFF086  }
0x1c: {  	p1 =	slt.u32 s9, $0xF7A;
	s5 =	simm.s32 @!p2 $0x0  }
0x1d: {  	s5 =	simm.s32 @p1 $0x1;
	p0 =	seq.s32 s7, s2  }
0x1e: {  	s7 =	smul.u32 @!p0 $0xF7A, s2;
	p2 =	seq.s32 @!p0 s5, $0x0  }
0x1f: {  	s9 =	smul.u32 $0xF7A, s1;
	s8 =	simm.s32 @!p0 $0x1BF5;
	p2 =	por !p2, p0  }
0x20: {  	[sflag:s8] =	ssyncset.s32 @!p0 $0xFFFFF086;
	s6 =	sadd.s32 @!p0 s3, s7;
	s7 =	simm.s32 @!p0 $0x108  }
0x21: {  	s3 =	sadd.s32 s3, s9;
	s6 =	sadd.s32 @!p0 $0x88, s6;
	s7 =	simm.s32 @p2 $0x1082  }
0x22: {  	[simem:s7], [sflag:s8] =	dma.local @!p0 [hbm:s6], $0xF7A  }
0x23: {  	s9 =	sor.u32 $0xD0000000, s2;
	s6 =	simm.s32 $0x108;
	_ =	swait.ge @!p0 [sflag:s8], $0x0  }
0x24: {  	s3 =	sadd.s32 $0x88, s3;
	s6 =	simm.s32 @!p1 $0x1082;
	[sflag:s4] =	ssyncset.s32 $0xFFFFF086  }
0x25: {  	[simem:s6], [sflag:s4] =	dma.local [hbm:s3], $0xF7A  }
0x26: {  	[smem:$0x3F9B] =	sst s1;
	(tag) =	ssettag s2;
	_ =	strace s9  }
0x27: {  	s1 =	sld [smem:$0x3FAB]  }
0x28: {  	s2 =	sld [smem:$0x3FAC]  }
0x29: {  	s4 =	sld [smem:$0x3FAE]  }
0x2a: {  	p0 =	seq.s32 s5, $0x0;
	s5 =	sld [smem:$0x3FAF]  }
0x2b: {  	s6 =	sld [smem:$0x3FB0]  }
0x2c: {  	s7 =	sld [smem:$0x3FB1]  }
0x2d: {  	s3 =	simm.s32 $0x108;
	s8 =	sld [smem:$0x3FB2]  }
0x2e: {  	s3 =	simm.s32 @!p0 $0x1082;
	s9 =	sld [smem:$0x3FB3]  }
0x2f: {  	lr =	sadd.s32 s0, s3;
	s0 =	sld [smem:$0x3FAA]  }
0x30: {  	s3 =	sld [smem:$0x3FAD]  }
0x31: {  	[smem:$0x3FB6] =	sst s10  }
0x32: {  	s10 =	sld [smem:$0x3FB4];
	_ =	sdelay $0x3  }
0x33: {  	p0 =	seq.s32 s10, $0x1;
	s10 =	sld [smem:$0x3FB6];
	_ =	sdelay $0x3  }
0x34: {  	[smem:$0x3FB6] =	sst s10  }
0x35: {  	s10 =	sld [smem:$0x3FB5];
	_ =	sdelay $0x3  }
0x36: {  	p1 =	seq.s32 s10, $0x1;
	s10 =	sld [smem:$0x3FB6];
	_ =	sdelay $0x3  }
0x37: {  	[smem:$0x3FB6] =	sst s10  }
0x38: {  	s10 =	sld [smem:$0x3FB7]  }
0x39: {  	_ = 	snop;
	(pc) =	sbr.ind lr, $3  }
0x3a: {  	_ = 	snop  }
0x3b: {  	_ = 	snop  }
0x3c: {  	p2 =	seq.s32 s10, $0x1;
	s10 =	sld [smem:$0x3FB6]  }
0x3d: {  	_ =	shalt  }
0x3e: {  	_ =	shalt  }
0x3f: {  	_ =	shalt  }
0x40: {  	_ =	shalt  }
0x41: {  	_ =	shalt  }
0x42: {  	_ =	shalt  }
0x43: {  	_ =	shalt  }
0x44: {  	_ =	shalt  }
0x45: {  	_ =	shalt  }
0x46: {  	_ =	shalt  }
0x47: {  	_ =	shalt  }
0x48: {  	_ =	shalt  }
0x49: {  	_ =	shalt  }
0x4a: {  	_ =	shalt  }
0x4b: {  	_ =	shalt  }
0x4c: {  	_ =	shalt  }
0x4d: {  	_ =	shalt  }
0x4e: {  	_ =	shalt  }
0x4f: {  	_ =	shalt  }
0x50: {  	_ =	shalt  }
0x51: {  	_ =	shalt  }
0x52: {  	_ =	shalt  }
0x53: {  	_ =	shalt  }
0x54: {  	_ =	shalt  }
0x55: {  	_ =	shalt  }
0x56: {  	_ =	shalt  }
0x57: {  	_ =	shalt  }
0x58: {  	_ =	shalt  }
0x59: {  	_ =	shalt  }
0x5a: {  	_ =	shalt  }
0x5b: {  	_ =	shalt  }
0x5c: {  	_ =	shalt  }
0x5d: {  	_ =	shalt  }
0x5e: {  	_ =	shalt  }
0x5f: {  	_ =	shalt  }
0x60: {  	_ =	shalt  }
0x61: {  	_ =	shalt  }
0x62: {  	_ =	shalt  }
0x63: {  	_ =	shalt  }
0x64: {  	_ =	shalt  }
0x65: {  	_ =	shalt  }
0x66: {  	_ =	shalt  }
0x67: {  	_ =	shalt  }
0x68: {  	_ =	shalt  }
0x69: {  	_ =	shalt  }
0x6a: {  	_ =	shalt  }
0x6b: {  	_ =	shalt  }
0x6c: {  	_ =	shalt  }
0x6d: {  	_ =	shalt  }
0x6e: {  	_ =	shalt  }
0x6f: {  	_ =	shalt  }
0x70: {  	_ =	shalt  }
0x71: {  	_ =	shalt  }
0x72: {  	_ =	shalt  }
0x73: {  	_ =	shalt  }
0x74: {  	_ =	shalt  }
0x75: {  	_ =	shalt  }
0x76: {  	_ =	shalt  }
0x77: {  	_ =	shalt  }
0x78: {  	_ =	shalt  }
0x79: {  	_ =	shalt  }
0x7a: {  	_ =	shalt  }
0x7b: {  	_ =	shalt  }
0x7c: {  	_ =	shalt  }
0x7d: {  	_ =	shalt  }
0x7e: {  	_ =	shalt  }
0x7f: {  	_ =	shalt  }
0x80: {  	_ =	shalt  }
0x81: {  	_ =	shalt  }
0x82: {  	_ =	shalt  }
0x83: {  	_ =	shalt  }
0x84: {  	_ =	shalt  }
0x85: {  	_ =	shalt  }
0x86: {  	_ =	shalt  }
0x87: {  	_ =	shalt  }
.Lfunc_end0:
.L_simem_size_0:
called_computation.2_lowered:
.L_overlay_start_0:
0x88: {  	s2 =	sld [smem:$0x3FD9]  }
0x89: {  	s3 =	sld [smem:$0x3FFE];
	_ =	sdelay $0x1  }
0x8a: {  	s1 =	srdreg.scid  }
0x8b: {  	s0 =	sand.u32 $0x1, s1  }
0x8c: {  	s17 =	sshll.u32 s0, $0xA;
	s2 =	sadd.s32 s3, s2  }
0x8d: {  	s2 =	sadd.s32 s2, s17  }
0x8e: {  	[smem:$0x3FC2] =	sst s2  }
0x8f: {  	_ = 	snop  }
0x90: {  	s2 =	sld [smem:$0x3FD0];
	(tm) =	ssettm $0x1  }
0x91: {  	s18 =	sld [smem:$0x3FFB];
	_ =	sdelay $0x3  }
0x92: {  	_ =	strace s18  }
0x93: {  	s3 =	sld [smem:$0x3FFC];
	_ =	sdelay $0x3  }
0x94: {  	_ =	strace s3  }
0x95: {  	s3 =	sld [smem:$0x3FFD];
	_ =	sdelay $0x3  }
0x96: {  	_ =	strace s3  }
0x97: {  	_ =	strace $0x8FFFFFFF  }
0x98: {  	s19 =	sld [smem:$0x3FDB];
	_ =	sdelay $0x1  }
0x99: {  	s4 =	simm.s32 $_scs_section_size  }
0x9a: {  	s5 =	simm.s32 $_size__tile_overlayer_lowered;
	s6 =	simm.s32 $_tile_overlayer_lowered  }
0x9b: {  	s22 =	simm.s32 $0x1BFF;
	s21 =	sshll.u32 s6, $0x1;
	s3 =	sadd.s32 s4, s19  }
0x9c: {  	s7 =	simm.s32 $0x0;
	s20 =	sshll.u32 s5, $0x1;
	s5 =	sadd.s32 s21, s3  }
0x9d: {  	[timem:s7], [sflag:s22] =	dma.local [hbm:s5], s20  }
0x9e: {  	_ =	swait.ge [sflag:s22], s20  }
0x9f: {  	s4 =	ssub.s32 $0x0, s20;
	[sflag:s22] =	ssyncset.done $0x0  }
0xa0: {  	[sflag:s22] =	ssyncadd.s32 s4;
	_ =	sdelay $0x1  }
0xa1: {  	s23 =	simm.s32 $0x1B8B  }
0xa2: {  	_ =	swait.ge [sflag:s23], $0x1  }
0xa3: {  	[sflag:s23] =	ssyncset.done $0x0  }
0xa4: {  	s25 =	simm.s32 $0x1B8E;
	s24 =	sld [smem:$0x3FFE];
	[sflag:s23] =	ssyncadd.s32 $0xFFFFFFFF  }
0xa5: {  	s26 =	simm.s32 $execute0_lowered;
	[smem:$0x3FD2] =	sst s25  }
0xa6: {  	s5 =	sshll.u32 s26, $0x1;
	_ =	strace $0x8000004C;
	[dreg:$0x1] =	wrdreg $0xFFFFFFFF  }
0xa7: {  	s28 =	simm.s32 $_size_execute0_lowered;
	s3 =	sadd.s32 s3, s5;
	[dreg:$0x0] =	wrdreg $0x0  }
0xa8: {  	s5 =	sshll.u32 s28, $0x1;
	[dreg:$0x2] =	wrdreg s3  }
0xa9: {  	[dreg:$0x3] =	wrdreg s5  }
0xaa: {  	[dreg:$0x4] =	wrdreg $0xC0  }
0xab: {  	_ =	task [dreg:s7], $0x5FFFF  }
0xac: {  	[dreg:$0x1] =	wrdreg $0xFFFFFFFF  }
0xad: {  	[dreg:$0x0] =	wrdreg $0x60  }
0xae: {  	[dreg:$0x2] =	wrdreg s24  }
0xaf: {  	[dreg:$0x3] =	wrdreg s2  }
0xb0: {  	[dreg:$0x4] =	wrdreg $0xB7800  }
0xb1: {  	[dreg:$0x5] =	wrdreg $0x9  }
0xb2: {  	_ =	task.clear_ibuf [dreg:s7], $0x6FFFF;
	_ =	strace $0x9000004C  }
0xb3: {  	s29 =	simm.s32 $0x9;
	_ =	strace $0x8000004E  }
0xb4: {  	_ =	swait.ge [sflag:s29], $0x1  }
0xb5: {  	[sflag:s29] =	ssyncadd.s32 $0xFFFFFFFF  }
0xb6: {  	_ =	strace $0x9000004E  }
0xb7: {  	_ =	sfence  }
0xb8: {  	s30 =	sld [smem:$0x0];
	_ =	sdelay $0x2  }
0xb9: {  	s31 =	sshll.u32 s1, $0xD;
	s1 =	sshrl.u32 s1, $0x2  }
0xba: {  	s3 =	sand.u32 $0x4000, s31;
	s1 =	sadd.s32 s1, s30  }
0xbb: {  	s0 =	sor.u32 s3, s0;
	s1 =	sshll.u32 s1, $0x11  }
0xbc: {  	s0 =	sor.u32 s1, s0  }
0xbd: {  	s0 =	sadd.s32 $0x8F2B, s0  }
0xbe: {  	[sflag:s0] =	ssyncadd.remote.s32 $0x1  }
0xbf: {  	_ =	sfence.sel $0xFFFF  }
0xc0: {  	[dreg:$0x0] =	wrdreg $0xFFFFFFFF;
	(pc) =	sbr.abs _section_cstart, $3  }
0xc1: {  	[dreg:$0x1] =	wrdreg $0xFFFFFFFF  }
0xc2: {  	_ =	task.clear_ibuf [dreg:s7], $0x2FFFF;
	_ =	strace $0x9FFFFFFF  }
0xc3: {  	(tm) =	ssettm $0x7FFFFFFF  }
tec
execute0_lowered:
.L_overlay_start_1:
0x0: {  	(tag) =	ssettag $0x1  }
0x1: {  	s0 =	rddreg [dreg:$0x0]  }
0x2: {  	s1 =	srdreg.scid;
	s2 =	rddreg [dreg:$0x1]  }
0x3: {  	s7 =	stileid.u32;
	s3 =	rddreg [dreg:$0x2]  }
0x4: {  	s18 =	simm.s32 $0x5;
	s28 =	simm.s32 $0x3;
	s29 =	simm.s32 $0xF0  }
0x5: {  	s30 =	simm.s32 $0x2;
	s31 =	simm.s32 $0x2880;
	s1 =	sand.u32 $0x1, s1  }
0x6: {  	s4 =	sshll.u32 s7, $0x1;
	s11 =	sadd.s32 $0xCA00, s0;
	s9 =	smul.u32 $0x4E000, s7  }
0x7: {  	s13 =	sadd.s32 $0x33C00, s0;
	s12 =	smul.u32 $0x2700, s7;
	s14 =	sadd.s32 $0x6E200, s0  }
0x8: {  	s23 =	sadd.s32 $0x138000, s3;
	p1 =	seq.s32 s7, $0xF;
	s15 =	sshll.u32 s7, $0x6  }
0x9: {  	p2 =	sne.s32 s7, $0xF;
	s5 =	sor.u32 s1, s4;
	s4 =	simm.s32 $0x0  }
0xa: {  	s8 =	ssub.s32 $0x2, s1;
	p0 =	sne.s32 s1, $0x0;
	s16 =	sor.u32 $0x1C05, s15  }
0xb: {  	s19 =	sshrl.u32 s23, $0x3;
	s23 =	simm.s32 $0xA0;
	s1 =	simm.s32 $0x4  }
0xc: {  	s6 =	smul.u32 $0x4E2, s5;
	[smem:$0x7FF] =	sst s4;
	s5 =	sshll.u32 s5, $0xB  }
0xd: {  	s22 =	sadd.s32 s11, s12;
	_ =	strace $0x8000004D;
	[dreg:$0x4] =	wrdreg s11  }
0xe: {  	s10 =	sshrl.u32 s8, $0x1;
	s24 =	sadd.s32 s2, s12;
	[dreg:$0x7] =	wrdreg s22  }
0xf: {  	s21 =	sshrl.u32 s9, $0x2;
	s25 =	sadd.s32 s14, s12;
	[dreg:$0x8] =	wrdreg s24  }
0x10: {  	s26 =	sadd.s32 s13, s12;
	s9 =	simm.s32 $0x6580;
	[dreg:$0x6] =	wrdreg s14  }
0x11: {  	s12 =	simm.s32 $0x0;
	s5 =	sadd.s32 s5, s0;
	[dreg:$0x9] =	wrdreg s25  }
0x12: {  	s20 =	ssub.s32 s8, s10;
	s8 =	sadd.s32 s21, s3;
	[dreg:$0x5] =	wrdreg s13  }
.Ltmp0:
0x13: {  	[dreg:$0xa] =	wrdreg s26;
	s21 =	simm.s32 $0x50;
	(pc) =	sbr.rel .LBB2_1-.Ltmp0, $4  }
0x14: {  	s22 =	simm.s32 $0x6780;
	s24 =	simm.s32 $0x8F80;
	s25 =	simm.s32 $0x1  }
0x15: {  	s26 =	simm.s32 $0x2800;
	s6 =	sadd.s32 s6, s0;
	s11 =	sadd.s32 $0x5E200, s5  }
0x16: {  	s14 =	smax.u32 s20, $0x1;
	s17 =	sshrl.u32 s8, $0x3;
	s20 =	simm.s32 $0x2780  }
0x17: {  	s0 =	simm.s32 $0x26C0;
	s8 =	simm.s32 $0x6500;
	s10 =	sadd.s32 $0x2C00, s6  }
.LBB2_10:
0x18: {  	s6 =	sadd.s32 $0x27000, s6  }
0x19: {  	[hbm:s6], [sflag:s5] =	dma.local [spmem:s19], $0x100  }
0x1a: {  	_ =	swait.ge [sflag:s18], $0x100  }
0x1b: {  	[sflag:s18] =	ssyncset.done $0x0  }
0x1c: {  	[sflag:s18] =	ssyncadd.s32 $0xFFFFFF00  }
.LBB2_11:
0x1d: {  	s12 =	sadd.s32 $0x1, s12  }
0x1e: {  	p3 =	sne.s32 s12, s14  }
.Ltmp1:
0x1f: {  	_ = 	snop;
	(pc) =	sbr.rel @!p3 .LBB2_12-.Ltmp1, $1  }
0x20: {  	_ =	sdelay $0x3  }
.LBB2_1:
.Ltmp2:
0x21: {  	(pc) =	sbr.rel @p0 .LBB2_3-.Ltmp2, $1  }
0x22: {  	_ =	sdelay $0x3  }
0x23: {  	s5 =	rddreg [dreg:$0x8]  }
0x24: {  	[spmem:s17], [sflag:s16] =	dma.local [hbm:s5], $0x2700  }
.Ltmp3:
0x25: {  	_ = 	snop;
	(pc) =	sbr.rel @p1 .LBB2_4-.Ltmp3, $4  }
.Ltmp4:
0x26: {  	_ = 	snop;
	(pc) =	sbr.rel @!p1 .LBB2_5-.Ltmp4, $4  }
0x27: {  	_ =	swait.ge [sflag:s18], $0x2700  }
0x28: {  	[sflag:s18] =	ssyncset.done $0x0  }
0x29: {  	s6 =	smov.u32 s2;
	s5 =	smov.u32 s16;
	[sflag:s18] =	ssyncadd.s32 $0xFFFFD900  }
0x2a: {  	_ = 	snop  }
.LBB2_3:
.Ltmp5:
0x2b: {  	s5 =	sor.u32 $0x1C05, s15;
	s6 =	rddreg [dreg:$0x7];
	(pc) =	sbr.rel @p2 .LBB2_5-.Ltmp5, $4  }
0x2c: {  	[spmem:s17], [sflag:s5] =	dma.local [hbm:s6], $0x2700  }
0x2d: {  	_ =	swait.ge [sflag:s18], $0x2700  }
0x2e: {  	[sflag:s18] =	ssyncset.done $0x0  }
0x2f: {  	s6 =	rddreg [dreg:$0x4];
	[sflag:s18] =	ssyncadd.s32 $0xFFFFD900  }
.LBB2_4:
0x30: {  	s6 =	sadd.s32 $0x27000, s6  }
0x31: {  	[spmem:s19], [sflag:s5] =	dma.local [hbm:s6], $0x100  }
0x32: {  	_ =	swait.ge [sflag:s18], $0x100  }
0x33: {  	[sflag:s18] =	ssyncset.done $0x0  }
0x34: {  	[sflag:s18] =	ssyncadd.s32 $0xFFFFFF00  }
.LBB2_5:
0x35: {  	[tilespmem:s4], [sflag:$0x5] =	stream.linear.gather [hbm4b:s10+s4], $0x2710, $0x38;
	[tilespmem:$0x1F000] =	vst v63  }
0x36: {  	_ =	swait.ge [sflag:s18], $0x2710  }
0x37: {  	[sflag:s18] =	ssyncset.done $0x0  }
0x38: {  	[sflag:s18] =	ssyncadd.s32 $0xFFFFD8F0  }
0x39: {  	[tilespmem:s20], [sflag:$0x5] =	stream.linear.gather [hbm4b:s11+s4], $0x3E80, $0x38;
	[tilespmem:$0x1F000] =	vst v63  }
0x3a: {  	_ =	swait.ge [sflag:s18], $0x3E80  }
0x3b: {  	[sflag:s18] =	ssyncset.done $0x0  }
0x3c: {  	[sflag:s18] =	ssyncadd.s32 $0xFFFFC180  }
0x3d: {  	[bflag:$0x0] =	sbarrier.arrive $0xFFFF  }
0x3e: {  	[tilespmem:s22], [sflag:$0x5] =	stream.indirect.gather [hbm4b:s2+s21], $0x80, s4, s21, $0xb8;
	[tilespmem:$0x1F000] =	vst v63  }
0x3f: {  	_ =	swait.ge [sflag:s18], $0x2800  }
0x40: {  	[sflag:s18] =	ssyncset.done $0x0  }
0x41: {  	[sflag:s18] =	ssyncadd.s32 $0xFFFFD800  }
0x42: {  	[spmem:s3] =	stream.indirect.scatter.add.f32 [tilespmem:s22], [sflag:$0x5], $0x80, s20, s21, $0xb8;
	[tilespmem:$0x1F000] =	vst v63  }
0x43: {  	_ =	swait.ge [sflag:s18], $0x2800  }
0x44: {  	[sflag:s18] =	ssyncset.done $0x0  }
0x45: {  	[sflag:s18] =	ssyncadd.s32 $0xFFFFD800  }
0x46: {  	[tilespmem:s22], [sflag:$0x1] =	stream.indirect.gather [hbm4b:s2+s21], $0x80, s21, s21, $0xb8;
	[tilespmem:$0x1F000] =	vst v63  }
0x47: {  	_ = 	snop  }
0x48: {  	[tilespmem:s24], [sflag:$0x2] =	stream.indirect.gather [hbm4b:s2+s21], $0x80, s23, s21, $0xb8;
	[tilespmem:$0x1F000] =	vst v63  }
0x49: {  	_ =	swait.ge [sflag:s25], $0x2800  }
0x4a: {  	[sflag:s25] =	ssyncset.done $0x0  }
0x4b: {  	[sflag:s25] =	ssyncadd.s32 $0xFFFFD800  }
0x4c: {  	[spmem:s3] =	stream.indirect.scatter.add.f32 [tilespmem:s22], [sflag:$0x3], $0x80, s26, s21, $0xb8;
	[tilespmem:$0x1F000] =	vst v63  }
0x4d: {  	_ =	swait.ge [sflag:s28], $0x2800  }
0x4e: {  	[sflag:s28] =	ssyncset.done $0x0  }
0x4f: {  	[sflag:s28] =	ssyncadd.s32 $0xFFFFD800  }
0x50: {  	[tilespmem:s22], [sflag:$0x1] =	stream.indirect.gather [hbm4b:s2+s21], $0x80, s29, s21, $0xb8;
	[tilespmem:$0x1F000] =	vst v63  }
0x51: {  	_ =	swait.ge [sflag:s30], $0x2800  }
0x52: {  	[sflag:s30] =	ssyncset.done $0x0  }
0x53: {  	[sflag:s30] =	ssyncadd.s32 $0xFFFFD800  }
0x54: {  	[spmem:s3] =	stream.indirect.scatter.add.f32 [tilespmem:s24], [sflag:$0x4], $0x80, s31, s21, $0xb8;
	[tilespmem:$0x1F000] =	vst v63  }
0x55: {  	_ =	swait.ge [sflag:s1], $0x2800  }
0x56: {  	[sflag:s1] =	ssyncset.done $0x0  }
0x57: {  	s5 =	simm.s32 $0x140;
	[sflag:s1] =	ssyncadd.s32 $0xFFFFD800  }
0x58: {  	[tilespmem:s24], [sflag:$0x2] =	stream.indirect.gather [hbm4b:s2+s21], $0x80, s5, s21, $0xb8;
	[tilespmem:$0x1F000] =	vst v63  }
0x59: {  	_ =	swait.ge [sflag:s25], $0x2800  }
0x5a: {  	[sflag:s25] =	ssyncset.done $0x0  }
0x5b: {  	s7 =	simm.s32 $0x2900;
	[sflag:s25] =	ssyncadd.s32 $0xFFFFD800  }
0x5c: {  	[spmem:s3] =	stream.indirect.scatter.add.f32 [tilespmem:s22], [sflag:$0x3], $0x80, s7, s21, $0xb8;
	[tilespmem:$0x1F000] =	vst v63  }
0x5d: {  	_ =	swait.ge [sflag:s28], $0x2800  }
0x5e: {  	[sflag:s28] =	ssyncset.done $0x0  }
0x5f: {  	s13 =	simm.s32 $0x190;
	[sflag:s28] =	ssyncadd.s32 $0xFFFFD800  }
0x60: {  	[tilespmem:s22], [sflag:$0x1] =	stream.indirect.gather [hbm4b:s2+s21], $0x80, s13, s21, $0xb8;
	[tilespmem:$0x1F000] =	vst v63  }
0x61: {  	_ =	swait.ge [sflag:s30], $0x2800  }
0x62: {  	s6 =	simm.s32 $0x2980;
	[sflag:s30] =	ssyncset.done $0x0  }
0x63: {  	s5 =	simm.s32 $0xFFFF1400;
	s13 =	simm.s32 $0x230;
	[sflag:s30] =	ssyncadd.s32 $0xFFFFD800  }
.LBB2_6:
0x64: {  	[spmem:s3] =	stream.indirect.scatter.add.f32 [tilespmem:s24], [sflag:$0x4], $0x80, s6, s21, $0xb8;
	[tilespmem:$0x1F000] =	vst v63  }
0x65: {  	s6 =	smov.u32 s5  }
0x66: {  	p3 =	sne.s32 s5, $0xFFFFFC00;
	s5 =	sadd.s32 $0x400, s5;
	_ =	swait.ge [sflag:s1], $0x2800  }
0x67: {  	[sflag:s1] =	ssyncset.done $0x0  }
0x68: {  	s7 =	sadd.s32 $0xFFFFFFB0, s13;
	[sflag:s1] =	ssyncadd.s32 $0xFFFFD800  }
0x69: {  	[tilespmem:s24], [sflag:$0x2] =	stream.indirect.gather [hbm4b:s2+s21], $0x80, s7, s21, $0xb8;
	[tilespmem:$0x1F000] =	vst v63  }
0x6a: {  	_ =	swait.ge [sflag:s25], $0x2800  }
0x6b: {  	s6 =	sshra.s32 s6, $0x2;
	[sflag:s25] =	ssyncset.done $0x0  }
0x6c: {  	s7 =	sadd.s32 $0x6500, s6;
	[sflag:s25] =	ssyncadd.s32 $0xFFFFD800  }
0x6d: {  	[spmem:s3] =	stream.indirect.scatter.add.f32 [tilespmem:s22], [sflag:$0x3], $0x80, s7, s21, $0xb8;
	[tilespmem:$0x1F000] =	vst v63  }
0x6e: {  	_ =	swait.ge [sflag:s28], $0x2800  }
0x6f: {  	[sflag:s28] =	ssyncset.done $0x0  }
.Ltmp6:
0x70: {  	[sflag:s28] =	ssyncadd.s32 $0xFFFFD800;
	(pc) =	sbr.rel @p3 .LBB2_6-.Ltmp6, $4  }
0x71: {  	[tilespmem:s22], [sflag:$0x1] =	stream.indirect.gather [hbm4b:s2+s21], $0x80, s13, s21, $0xb8;
	[tilespmem:$0x1F000] =	vst v63  }
0x72: {  	_ =	swait.ge [sflag:s30], $0x2800  }
0x73: {  	[sflag:s30] =	ssyncset.done $0x0  }
0x74: {  	s6 =	sadd.s32 $0x6580, s6;
	s13 =	sadd.s32 $0xA0, s13;
	[sflag:s30] =	ssyncadd.s32 $0xFFFFD800  }
0x75: {  	[spmem:s3] =	stream.indirect.scatter.add.f32 [tilespmem:s24], [sflag:$0x4], $0x80, s6, s21, $0xb8;
	[tilespmem:$0x1F000] =	vst v63  }
0x76: {  	_ =	swait.ge [sflag:s1], $0x2800  }
0x77: {  	[sflag:s1] =	ssyncset.done $0x0  }
0x78: {  	[sflag:s1] =	ssyncadd.s32 $0xFFFFD800  }
0x79: {  	[tilespmem:s24], [sflag:$0x2] =	stream.indirect.gather [hbm4b:s2+s21], $0x80, s0, s21, $0xb8;
	[tilespmem:$0x1F000] =	vst v63  }
0x7a: {  	_ =	swait.ge [sflag:s25], $0x2800  }
0x7b: {  	[sflag:s25] =	ssyncset.done $0x0  }
0x7c: {  	[sflag:s25] =	ssyncadd.s32 $0xFFFFD800  }
0x7d: {  	[spmem:s3] =	stream.indirect.scatter.add.f32 [tilespmem:s22], [sflag:$0x3], $0x80, s8, s21, $0xb8;
	[tilespmem:$0x1F000] =	vst v63  }
0x7e: {  	_ =	swait.ge [sflag:s30], $0x2800  }
0x7f: {  	[sflag:s30] =	ssyncset.done $0x0  }
0x80: {  	[sflag:s30] =	ssyncadd.s32 $0xFFFFD800  }
0x81: {  	[spmem:s3] =	stream.indirect.scatter.add.f32 [tilespmem:s24], [sflag:$0x4], $0x80, s9, s21, $0xb8;
	[tilespmem:$0x1F000] =	vst v63  }
0x82: {  	_ =	swait.ge [sflag:s28], $0x2800  }
0x83: {  	[sflag:s28] =	ssyncset.done $0x0  }
0x84: {  	[sflag:s28] =	ssyncadd.s32 $0xFFFFD800  }
.Ltmp7:
0x85: {  	_ =	swait.ge [sflag:s1], $0x2800;
	(pc) =	sbr.rel @p0 .LBB2_9-.Ltmp7, $4  }
0x86: {  	[sflag:s1] =	ssyncset.done $0x0  }
0x87: {  	[sflag:s1] =	ssyncadd.s32 $0xFFFFD800  }
0x88: {  	[bflag:$0x0] =	sbarrier.arrive $0xFFFF  }
0x89: {  	s5 =	sor.u32 $0x1C05, s15  }
0x8a: {  	s6 =	rddreg [dreg:$0xa]  }
0x8b: {  	[hbm:s6], [sflag:s5] =	dma.local [spmem:s17], $0x2700  }
.Ltmp8:
0x8c: {  	_ = 	snop;
	(pc) =	sbr.rel @p1 .LBB2_10-.Ltmp8, $4  }
.Ltmp9:
0x8d: {  	_ = 	snop;
	(pc) =	sbr.rel @!p1 .LBB2_11-.Ltmp9, $4  }
0x8e: {  	_ =	swait.ge [sflag:s18], $0x2700  }
0x8f: {  	[sflag:s18] =	ssyncset.done $0x0  }
0x90: {  	s6 =	rddreg [dreg:$0x5];
	[sflag:s18] =	ssyncadd.s32 $0xFFFFD900  }
0x91: {  	_ = 	snop  }
.LBB2_9:
0x92: {  	s6 =	rddreg [dreg:$0x9]  }
0x93: {  	[hbm:s6], [sflag:s5] =	dma.local [spmem:s17], $0x2700  }
.Ltmp10:
0x94: {  	_ = 	snop;
	(pc) =	sbr.rel @p2 .LBB2_11-.Ltmp10, $4  }
.Ltmp11:
0x95: {  	_ = 	snop;
	(pc) =	sbr.rel @!p2 .LBB2_10-.Ltmp11, $4  }
0x96: {  	_ =	swait.ge [sflag:s18], $0x2700  }
0x97: {  	[sflag:s18] =	ssyncset.done $0x0  }
0x98: {  	s6 =	rddreg [dreg:$0x6];
	[sflag:s18] =	ssyncadd.s32 $0xFFFFD900  }
0x99: {  	_ = 	snop  }
.LBB2_12:
0x9a: {  	_ =	sfence.sel $0x180000  }
0x9b: {  	[bflag:$0x0] =	sbarrier.arrive $0xFFFF  }
0x9c: {  	_ =	strace $0x9000004D  }
0x9d: {  	s0 =	stileid.u32;
	[bflag:$0x2] =	sbarrier.arrive $0xFFFF  }
0x9e: {  	p0 =	sne.s32 s0, $0x0;
	s0 =	rddreg [dreg:$0x3]  }
0x9f: {  	s0 =	sadd.s32 @!p0 $0x100000, s0  }
0xa0: {  	[sflag:s0] =	ssyncadd.tile.s32 @!p0 $0x1;
	_ =	shalt  }
.Lfunc_end2:
_tile_overlayer_lowered:
.L_overlay_start_2:
0xa1: {  	(tag) =	ssettag $0x2  }
0xa2: {  	s0 =	rddreg [dreg:$0x0];
	s2 =	stileid.u32  }
0xa3: {  	s1 =	rddreg [dreg:$0x1];
	p0 =	sne.s32 s2, $0x0  }
0xa4: {  	s3 =	rddreg [dreg:$0x2];
	[bflag:$0x3] =	sbarrier.arrive $0xFFFF;
	s2 =	simm.s32 @!p0 $0x1C05  }
0xa5: {  	[timem:s3], [sflag:s2] =	dma.local @!p0 [hbm:s0], s1  }
0xa6: {  	s0 =	simm.s32 @!p0 $0x5  }
0xa7: {  	_ =	swait.ge @!p0 [sflag:s0], s1  }
0xa8: {  	s1 =	ssub.s32 @!p0 $0x0, s1;
	[sflag:s0] =	ssyncset.done @!p0 $0x0  }
0xa9: {  	[sflag:s0] =	ssyncadd.s32 @!p0 s1  }
0xaa: {  	[bflag:$0x3] =	sbarrier.arrive $0xFFFF  }
0xab: {  	_ =	shalt  }

// kernel: kernel.8.cloned.1.call-start
scs
__scs_entry_jumppad:
0x0: {  	(pc) =	sbr.rel $0x88, $3  }
0x1: {  	(tag) =	ssettag $0x0;
	lr =	simm.s32 $0x1  }
0x2: {  	[smem:$0x3F9B] =	sst lr;
	_ =	strace $0xD0000000  }
0x3: {  	_ = 	snop  }
0x4: {  	_ = 	snop  }
0x5: {  	_ = 	snop  }
0x6: {  	_ = 	snop  }
0x7: {  	_ = 	snop  }
__scs_overlays_trampoline_lowered:
0x8: {  	[smem:$0x3FAA] =	sst s0  }
0x9: {  	[smem:$0x3FAB] =	sst s1  }
0xa: {  	[smem:$0x3FAC] =	sst s2  }
0xb: {  	[smem:$0x3FAD] =	sst s3  }
0xc: {  	[smem:$0x3FAE] =	sst s4  }
0xd: {  	[smem:$0x3FAF] =	sst s5  }
0xe: {  	[smem:$0x3FB0] =	sst s6  }
0xf: {  	[smem:$0x3FB1] =	sst s7  }
0x10: {  	[smem:$0x3FB2] =	sst s8  }
0x11: {  	[smem:$0x3FB3] =	sst s9;
	s0 =	simm.s32 @!p0 $0x0  }
0x12: {  	s1 =	sld [smem:$0x3F99];
	s0 =	simm.s32 @p0 $0x1  }
0x13: {  	[smem:$0x3FB4] =	sst s0;
	s0 =	simm.s32 @!p1 $0x0  }
0x14: {  	s2 =	sld [smem:$0x3F98];
	s0 =	simm.s32 @p1 $0x1  }
0x15: {  	[smem:$0x3FB5] =	sst s0;
	s0 =	simm.s32 @!p2 $0x0  }
0x16: {  	s3 =	sld [smem:$0x3FDB];
	s0 =	simm.s32 @p2 $0x1  }
0x17: {  	s4 =	simm.s32 $0x1BF5;
	[smem:$0x3FB7] =	sst s0  }
0x18: {  	s0 =	sld [smem:$0x3F9A];
	_ =	swait.ge [sflag:s4], $0x0  }
0x19: {  	s7 =	sld [smem:$0x3F9B]  }
0x1a: {  	s8 =	sadd.s32 $0xFFFFE003, lr  }
0x1b: {  	s9 =	sadd.s32 $0xFFFFFEF7, lr;
	s5 =	simm.s32 $0xFFFFFFFF;
	p2 =	slt.u32 s8, $0xFFFFF086  }
0x1c: {  	p1 =	slt.u32 s9, $0xF7A;
	s5 =	simm.s32 @!p2 $0x0  }
0x1d: {  	s5 =	simm.s32 @p1 $0x1;
	p0 =	seq.s32 s7, s2  }
0x1e: {  	s7 =	smul.u32 @!p0 $0xF7A, s2;
	p2 =	seq.s32 @!p0 s5, $0x0  }
0x1f: {  	s9 =	smul.u32 $0xF7A, s1;
	s8 =	simm.s32 @!p0 $0x1BF5;
	p2 =	por !p2, p0  }
0x20: {  	[sflag:s8] =	ssyncset.s32 @!p0 $0xFFFFF086;
	s6 =	sadd.s32 @!p0 s3, s7;
	s7 =	simm.s32 @!p0 $0x108  }
0x21: {  	s3 =	sadd.s32 s3, s9;
	s6 =	sadd.s32 @!p0 $0x88, s6;
	s7 =	simm.s32 @p2 $0x1082  }
0x22: {  	[simem:s7], [sflag:s8] =	dma.local @!p0 [hbm:s6], $0xF7A  }
0x23: {  	s9 =	sor.u32 $0xD0000000, s2;
	s6 =	simm.s32 $0x108;
	_ =	swait.ge @!p0 [sflag:s8], $0x0  }
0x24: {  	s3 =	sadd.s32 $0x88, s3;
	s6 =	simm.s32 @!p1 $0x1082;
	[sflag:s4] =	ssyncset.s32 $0xFFFFF086  }
0x25: {  	[simem:s6], [sflag:s4] =	dma.local [hbm:s3], $0xF7A  }
0x26: {  	[smem:$0x3F9B] =	sst s1;
	(tag) =	ssettag s2;
	_ =	strace s9  }
0x27: {  	s1 =	sld [smem:$0x3FAB]  }
0x28: {  	s2 =	sld [smem:$0x3FAC]  }
0x29: {  	s4 =	sld [smem:$0x3FAE]  }
0x2a: {  	p0 =	seq.s32 s5, $0x0;
	s5 =	sld [smem:$0x3FAF]  }
0x2b: {  	s6 =	sld [smem:$0x3FB0]  }
0x2c: {  	s7 =	sld [smem:$0x3FB1]  }
0x2d: {  	s3 =	simm.s32 $0x108;
	s8 =	sld [smem:$0x3FB2]  }
0x2e: {  	s3 =	simm.s32 @!p0 $0x1082;
	s9 =	sld [smem:$0x3FB3]  }
0x2f: {  	lr =	sadd.s32 s0, s3;
	s0 =	sld [smem:$0x3FAA]  }
0x30: {  	s3 =	sld [smem:$0x3FAD]  }
0x31: {  	[smem:$0x3FB6] =	sst s10  }
0x32: {  	s10 =	sld [smem:$0x3FB4];
	_ =	sdelay $0x3  }
0x33: {  	p0 =	seq.s32 s10, $0x1;
	s10 =	sld [smem:$0x3FB6];
	_ =	sdelay $0x3  }
0x34: {  	[smem:$0x3FB6] =	sst s10  }
0x35: {  	s10 =	sld [smem:$0x3FB5];
	_ =	sdelay $0x3  }
0x36: {  	p1 =	seq.s32 s10, $0x1;
	s10 =	sld [smem:$0x3FB6];
	_ =	sdelay $0x3  }
0x37: {  	[smem:$0x3FB6] =	sst s10  }
0x38: {  	s10 =	sld [smem:$0x3FB7]  }
0x39: {  	_ = 	snop;
	(pc) =	sbr.ind lr, $3  }
0x3a: {  	_ = 	snop  }
0x3b: {  	_ = 	snop  }
0x3c: {  	p2 =	seq.s32 s10, $0x1;
	s10 =	sld [smem:$0x3FB6]  }
0x3d: {  	_ =	shalt  }
0x3e: {  	_ =	shalt  }
0x3f: {  	_ =	shalt  }
0x40: {  	_ =	shalt  }
0x41: {  	_ =	shalt  }
0x42: {  	_ =	shalt  }
0x43: {  	_ =	shalt  }
0x44: {  	_ =	shalt  }
0x45: {  	_ =	shalt  }
0x46: {  	_ =	shalt  }
0x47: {  	_ =	shalt  }
0x48: {  	_ =	shalt  }
0x49: {  	_ =	shalt  }
0x4a: {  	_ =	shalt  }
0x4b: {  	_ =	shalt  }
0x4c: {  	_ =	shalt  }
0x4d: {  	_ =	shalt  }
0x4e: {  	_ =	shalt  }
0x4f: {  	_ =	shalt  }
0x50: {  	_ =	shalt  }
0x51: {  	_ =	shalt  }
0x52: {  	_ =	shalt  }
0x53: {  	_ =	shalt  }
0x54: {  	_ =	shalt  }
0x55: {  	_ =	shalt  }
0x56: {  	_ =	shalt  }
0x57: {  	_ =	shalt  }
0x58: {  	_ =	shalt  }
0x59: {  	_ =	shalt  }
0x5a: {  	_ =	shalt  }
0x5b: {  	_ =	shalt  }
0x5c: {  	_ =	shalt  }
0x5d: {  	_ =	shalt  }
0x5e: {  	_ =	shalt  }
0x5f: {  	_ =	shalt  }
0x60: {  	_ =	shalt  }
0x61: {  	_ =	shalt  }
0x62: {  	_ =	shalt  }
0x63: {  	_ =	shalt  }
0x64: {  	_ =	shalt  }
0x65: {  	_ =	shalt  }
0x66: {  	_ =	shalt  }
0x67: {  	_ =	shalt  }
0x68: {  	_ =	shalt  }
0x69: {  	_ =	shalt  }
0x6a: {  	_ =	shalt  }
0x6b: {  	_ =	shalt  }
0x6c: {  	_ =	shalt  }
0x6d: {  	_ =	shalt  }
0x6e: {  	_ =	shalt  }
0x6f: {  	_ =	shalt  }
0x70: {  	_ =	shalt  }
0x71: {  	_ =	shalt  }
0x72: {  	_ =	shalt  }
0x73: {  	_ =	shalt  }
0x74: {  	_ =	shalt  }
0x75: {  	_ =	shalt  }
0x76: {  	_ =	shalt  }
0x77: {  	_ =	shalt  }
0x78: {  	_ =	shalt  }
0x79: {  	_ =	shalt  }
0x7a: {  	_ =	shalt  }
0x7b: {  	_ =	shalt  }
0x7c: {  	_ =	shalt  }
0x7d: {  	_ =	shalt  }
0x7e: {  	_ =	shalt  }
0x7f: {  	_ =	shalt  }
0x80: {  	_ =	shalt  }
0x81: {  	_ =	shalt  }
0x82: {  	_ =	shalt  }
0x83: {  	_ =	shalt  }
0x84: {  	_ =	shalt  }
0x85: {  	_ =	shalt  }
0x86: {  	_ =	shalt  }
0x87: {  	_ =	shalt  }
.Lfunc_end0:
.L_simem_size_0:
called_computation_lowered:
.L_overlay_start_0:
0x88: {  	s2 =	sld [smem:$0x3FD9]  }
0x89: {  	s3 =	sld [smem:$0x3FFE];
	_ =	sdelay $0x1  }
0x8a: {  	s1 =	srdreg.scid  }
0x8b: {  	s0 =	sand.u32 $0x1, s1  }
0x8c: {  	s17 =	sshll.u32 s0, $0xA;
	s2 =	sadd.s32 s3, s2  }
0x8d: {  	s2 =	sadd.s32 s2, s17  }
0x8e: {  	[smem:$0x3FC2] =	sst s2  }
0x8f: {  	_ = 	snop  }
0x90: {  	s2 =	sld [smem:$0x3FD0];
	(tm) =	ssettm $0x1  }
0x91: {  	s18 =	sld [smem:$0x3FFB];
	_ =	sdelay $0x3  }
0x92: {  	_ =	strace s18  }
0x93: {  	s3 =	sld [smem:$0x3FFC];
	_ =	sdelay $0x3  }
0x94: {  	_ =	strace s3  }
0x95: {  	s3 =	sld [smem:$0x3FFD];
	_ =	sdelay $0x3  }
0x96: {  	_ =	strace s3  }
0x97: {  	_ =	strace $0x8FFFFFFF  }
0x98: {  	s19 =	sld [smem:$0x3FDB];
	_ =	sdelay $0x1  }
0x99: {  	s4 =	simm.s32 $_scs_section_size  }
0x9a: {  	s5 =	simm.s32 $_size__tile_overlayer_lowered;
	s6 =	simm.s32 $_tile_overlayer_lowered  }
0x9b: {  	s22 =	simm.s32 $0x1BFF;
	s21 =	sshll.u32 s6, $0x1;
	s3 =	sadd.s32 s4, s19  }
0x9c: {  	s7 =	simm.s32 $0x0;
	s20 =	sshll.u32 s5, $0x1;
	s5 =	sadd.s32 s21, s3  }
0x9d: {  	[timem:s7], [sflag:s22] =	dma.local [hbm:s5], s20  }
0x9e: {  	_ =	swait.ge [sflag:s22], s20  }
0x9f: {  	s4 =	ssub.s32 $0x0, s20;
	[sflag:s22] =	ssyncset.done $0x0  }
0xa0: {  	[sflag:s22] =	ssyncadd.s32 s4;
	_ =	sdelay $0x1  }
0xa1: {  	s23 =	simm.s32 $0x1B8B  }
0xa2: {  	_ =	swait.ge [sflag:s23], $0x1  }
0xa3: {  	[sflag:s23] =	ssyncset.done $0x0  }
0xa4: {  	s25 =	simm.s32 $0x1B8E;
	s24 =	sld [smem:$0x3FFE];
	[sflag:s23] =	ssyncadd.s32 $0xFFFFFFFF  }
0xa5: {  	s26 =	simm.s32 $execute0_lowered;
	[smem:$0x3FD2] =	sst s25  }
0xa6: {  	s5 =	sshll.u32 s26, $0x1;
	_ =	strace $0x80000046;
	[dreg:$0x1] =	wrdreg $0xFFFFFFFF  }
0xa7: {  	s28 =	simm.s32 $_size_execute0_lowered;
	s3 =	sadd.s32 s3, s5;
	[dreg:$0x0] =	wrdreg $0x0  }
0xa8: {  	s5 =	sshll.u32 s28, $0x1;
	[dreg:$0x2] =	wrdreg s3  }
0xa9: {  	[dreg:$0x3] =	wrdreg s5  }
0xaa: {  	[dreg:$0x4] =	wrdreg $0xC0  }
0xab: {  	_ =	task [dreg:s7], $0x5FFFF  }
0xac: {  	[dreg:$0x1] =	wrdreg $0xFFFFFFFF  }
0xad: {  	[dreg:$0x0] =	wrdreg $0x60  }
0xae: {  	[dreg:$0x2] =	wrdreg s2  }
0xaf: {  	[dreg:$0x3] =	wrdreg s24  }
0xb0: {  	[dreg:$0x4] =	wrdreg $0x9  }
0xb1: {  	_ =	task.clear_ibuf [dreg:s7], $0x5FFFF;
	_ =	strace $0x90000046  }
0xb2: {  	s29 =	simm.s32 $0x9;
	_ =	strace $0x80000048  }
0xb3: {  	_ =	swait.ge [sflag:s29], $0x1  }
0xb4: {  	[sflag:s29] =	ssyncadd.s32 $0xFFFFFFFF  }
0xb5: {  	_ =	strace $0x90000048  }
0xb6: {  	_ =	sfence  }
0xb7: {  	s30 =	sld [smem:$0x0];
	_ =	sdelay $0x2  }
0xb8: {  	s31 =	sshll.u32 s1, $0xD;
	s1 =	sshrl.u32 s1, $0x2  }
0xb9: {  	s3 =	sand.u32 $0x4000, s31;
	s1 =	sadd.s32 s1, s30  }
0xba: {  	s0 =	sor.u32 s3, s0;
	s1 =	sshll.u32 s1, $0x11  }
0xbb: {  	s0 =	sor.u32 s1, s0  }
0xbc: {  	s0 =	sadd.s32 $0x8F2B, s0  }
0xbd: {  	[sflag:s0] =	ssyncadd.remote.s32 $0x1  }
0xbe: {  	_ =	sfence.sel $0xFFFF  }
0xbf: {  	[dreg:$0x0] =	wrdreg $0xFFFFFFFF;
	(pc) =	sbr.abs _section_cstart, $3  }
0xc0: {  	[dreg:$0x1] =	wrdreg $0xFFFFFFFF  }
0xc1: {  	_ =	task.clear_ibuf [dreg:s7], $0x2FFFF;
	_ =	strace $0x9FFFFFFF  }
0xc2: {  	(tm) =	ssettm $0x7FFFFFFF  }
0xc3: {  	_ =	shalt  }
tec
execute0_lowered:
.L_overlay_start_1:
0x0: {  	(tag) =	ssettag $0x1  }
0x1: {  	s4 =	rddreg [dreg:$0x0];
	v0 =	vimm.s32 $0xE40000  }
0x2: {  	s1 =	srdreg.scid;
	s0 =	stileid.u32;
	v0 =	vunpack.c.l.s2.s4 v0  }
0x3: {  	s5 =	rddreg [dreg:$0x1];
	v1 =	vimm.s32 $0x76543210;
	s3 =	sand.u32 $0x1, s1;
	s6 =	sshll.u32 s0, $0x1  }
0x4: {  	s2 =	simm.s32 $0x0;
	s1 =	rddreg [dreg:$0x2];
	v1 =	vunpack.c.l.s4.s8 v1;
	s6 =	sor.u32 s3, s6;
	v0 =	vunpack.c.l.s4.s8 v0  }
0x5: {  	[smem:$0x7FF] =	sst s2;
	s8 =	ssub.s32 $0x2, s3;
	s7 =	smul.u32 $0x2780, s6  }
0x6: {  	v2 =	vimm.s32 $0x7060504;
	_ =	strace $0x80000047;
	s9 =	sshrl.u32 s8, $0x1;
	s6 =	smul.u32 $0x4E2, s6;
	v1 =	vunpack.c.0.s8.s32 v1;
	v3 =	vunpack.c.0.s8.s32 v0  }
0x7: {  	vm0 =	vcmask $0x2300;
	v2 =	vunpack.c.0.s8.s32 v2;
	s3 =	sadd.s32 $0xCA00, s5;
	s31 =	ssub.s32 s8, s9;
	s8 =	simm.s32 $0x1  }
0x8: {  	s9 =	simm.s32 $0x0;
	s5 =	sadd.s32 s7, s5;
	s4 =	sadd.s32 s4, s6;
	v0 =	vnsel vm0, $0x0, v1;
	vm0 =	vcmask $0x3F30;
	v3 =	vand.u32 $0x3, v3  }
0x9: {  	s6 =	smax.u32 s31, $0x1;
	s7 =	simm.s32 $0x2780;
	v1 =	vimm.f32 $1.000000000e+00;
	s5 =	sadd.s32 $0xF200, s5;
	v2 =	vsel vm0, v2, v3;
	vm0 =	vcmask $0x3F20  }
.LBB2_1:
0xa: {  	[tilespmem:s7], [sflag:$0x1] =	stream.linear.gather [hbm4b:s3+s2], $0x13880, $0x38;
	[tilespmem:$0x16380] =	vst v63  }
0xb: {  	_ =	swait.ge [sflag:s8], $0x13880  }
0xc: {  	[sflag:s8] =	ssyncset.done $0x0  }
0xd: {  	[sflag:s8] =	ssyncadd.s32 $0xFFFEC780  }
0xe: {  	[tilespmem:s2], [sflag:$0x1] =	stream.linear.gather [hbm4b:s4+s2], $0x2710, $0x38;
	[tilespmem:$0x16380] =	vst v63  }
0xf: {  	_ =	swait.ge [sflag:s8], $0x2710  }
0x10: {  	[sflag:s8] =	ssyncset.done $0x0  }
0x11: {  	s10 =	simm.s32 $0x0;
	[sflag:s8] =	ssyncadd.s32 $0xFFFFD8F0  }
0x12: {  	v3 =	vld [tilespmem:s10+$0x0];
	s10 =	simm.s32 $0x40  }
.LBB2_2:
0x13: {  	p0 =	sne.s32 s10, $0x9C00;
	_ =	sdelay $0x3  }
0x14: {  	v3 =	vshll.u32 v3, $0x3  }
0x15: {  	v4 =	vor.u32 v0, v3;
	v3 =	vor.u32 v2, v3;
	_ =	sdelay $0x2  }
.Ltmp0:
0x16: {  	(pc) =	sbr.rel @p0 .LBB2_2-.Ltmp0, $4  }
0x17: {  	_ = 	snop  }
0x18: {  	[tilespmem:v4+s7+$0x0] =	vst.idx.add.f32.msk $0xff, v1  }
0x19: {  	s11 =	sshra.s32 s10, $0x2;
	[tilespmem:v3+s7+$0x0] =	vst.idx.add.f32.msk vm0, v1  }
0x1a: {  	s10 =	sadd.s32 $0x40, s10;
	v3 =	vld [tilespmem:s11+$0x0]  }
0x1b: {  	_ =	sdelay $0x3  }
0x1c: {  	v3 =	vshll.u32 v3, $0x3  }
0x1d: {  	v4 =	vor.u32 v0, v3  }
0x1e: {  	v3 =	vor.u32 v2, v3;
	_ =	sdelay $0x2  }
0x1f: {  	s9 =	sadd.s32 $0x1, s9  }
0x20: {  	p0 =	sne.s32 s9, s6;
	[tilespmem:v4+s7+$0x0] =	vst.idx.add.f32.msk $0xff, v1  }
.Ltmp1:
0x21: {  	[tilespmem:v3+s7+$0x0] =	vst.idx.add.f32.msk vm0, v1;
	(pc) =	sbr.rel @p0 .LBB2_1-.Ltmp1, $4  }
0x22: {  	[hbm4b:s5+s2] =	stream.linear.scatter [tilespmem:s7], [sflag:$0x1], $0x13880, $0x38;
	[tilespmem:$0x16380] =	vst v63  }
0x23: {  	_ =	swait.ge [sflag:s8], $0x13880  }
0x24: {  	[sflag:s8] =	ssyncset.done $0x0  }
0x25: {  	[sflag:s8] =	ssyncadd.s32 $0xFFFEC780  }
0x26: {  	_ =	sfence.sel $0x180000  }
0x27: {  	[bflag:$0x0] =	sbarrier.arrive $0xFFFF  }
0x28: {  	p0 =	sne.s32 s0, $0x0;
	_ =	strace $0x90000047  }
0x29: {  	s0 =	sadd.s32 @!p0 $0x100000, s1;
	[bflag:$0x2] =	sbarrier.arrive $0xFFFF  }
0x2a: {  	[sflag:s0] =	ssyncadd.tile.s32 @!p0 $0x1;
	_ =	shalt  }
.Lfunc_end2:
_tile_overlayer_lowered:
.L_overlay_start_2:
0x2b: {  	(tag) =	ssettag $0x2  }
0x2c: {  	s0 =	rddreg [dreg:$0x0];
	s2 =	stileid.u32  }
0x2d: {  	s1 =	rddreg [dreg:$0x1];
	p0 =	sne.s32 s2, $0x0  }
0x2e: {  	s3 =	rddreg [dreg:$0x2];
	[bflag:$0x3] =	sbarrier.arrive $0xFFFF;
	s2 =	simm.s32 @!p0 $0x1C01  }
0x2f: {  	[timem:s3], [sflag:s2] =	dma.local @!p0 [hbm:s0], s1  }
0x30: {  	s0 =	simm.s32 @!p0 $0x1  }
0x31: {  	_ =	swait.ge @!p0 [sflag:s0], s1  }
0x32: {  	s1 =	ssub.s32 @!p0 $0x0, s1;
	[sflag:s0] =	ssyncset.done @!p0 $0x0  }
0x33: {  	[sflag:s0] =	ssyncadd.s32 @!p0 s1  }
0x34: {  	[bflag:$0x3] =	sbarrier.arrive $0xFFFF  }
0x35: {  	_ =	shalt  }

</sc_bundles>
